<compile_context>
chip_gen: v7x
topology: tpu7x:2x2x1
jax: 0.10.2.dev20260603
libtpu: 0.0.44.dev20260713+nightly
codegen_flags: <defaults>
</compile_context>

<pallas_src>
import functools

import jax
import jax.numpy as jnp
from jax import lax
from jax.experimental import pallas as pl
from jax.experimental.pallas import tpu as pltpu
from jax.experimental.pallas import tpu_sc as plsc

N = 10000
E = 320000
D = 128
NS = 100
B = 100
LAT = 5

NUM_CORES = 2
NUM_SUBCORES = 16
NUM_WORKERS = NUM_CORES * NUM_SUBCORES

CHUNK = 128
TOT_CHUNKS = E // CHUNK
CPT = 78
IDX_BLK = 26
NSTAGES = CPT // IDX_BLK
TAIL = TOT_CHUNKS - NUM_WORKERS * CPT
TAIL_BASE = NUM_WORKERS * CPT
LANES = 16

ZBLK = 200
NZB = N // ZBLK
ZB_ITERS = -(-NZB // NUM_SUBCORES)


def _sc_agg_body(x_hbm, z_hbm, src_hbm, dst_hbm, out_hbm,
                 srcblk, dst1d, dstblk, rows, acc, sem0, sem1):
    cid = lax.axis_index("c")
    sid = lax.axis_index("s")
    wid = cid * NUM_SUBCORES + sid

    cbase = wid * CPT

    def stage_idx(k):
        off = (cbase + k * IDX_BLK) * CHUNK
        pltpu.sync_copy(src_hbm.at[pl.ds(off, IDX_BLK * CHUNK)],
                        srcblk.at[k % 2])
        pltpu.sync_copy(dst_hbm.at[pl.ds(off, IDX_BLK * CHUNK)], dst1d)

        def rcopy(t, _):
            c = t // (CHUNK // LANES)
            b = (t % (CHUNK // LANES)) * LANES
            dstblk[k % 2, c, pl.ds(b, LANES)] = dst1d[pl.ds(c * CHUNK + b,
                                                            LANES)]
            return 0
        lax.fori_loop(0, IDX_BLK * (CHUNK // LANES), rcopy, 0)

    stage_idx(0)

    def zblock(k, _):
        blk = k * NUM_SUBCORES + sid

        @pl.when(blk < NZB)
        def _():
            pltpu.sync_copy(z_hbm, acc.at[pl.ds(blk * ZBLK, ZBLK)])
        return 0
    lax.fori_loop(0, ZB_ITERS, zblock, 0)
    plsc.subcore_barrier()

    rows0 = rows.at[0]
    rows1 = rows.at[1]
    for k in range(NSTAGES):
        sb = srcblk.at[k % 2]
        db = dstblk.at[k % 2]
        pltpu.async_copy(x_hbm.at[sb.at[pl.ds(0, CHUNK)]], rows0, sem0)
        if k + 1 < NSTAGES:
            stage_idx(k + 1)

        def pair_body(j, _):
            c0 = 2 * j
            c1 = 2 * j + 1
            pltpu.async_copy(x_hbm.at[sb.at[pl.ds(c1 * CHUNK, CHUNK)]],
                             rows1, sem1)
            pltpu.make_async_copy(
                x_hbm.at[sb.at[pl.ds(c0 * CHUNK, CHUNK)]], rows0, sem0).wait()
            pltpu.sync_copy(rows0, acc.at[db.at[c0]], add=True)

            @pl.when(c1 + 1 < IDX_BLK)
            def _():
                pltpu.async_copy(
                    x_hbm.at[sb.at[pl.ds(jnp.minimum(c1 + 1, IDX_BLK - 1)
                                         * CHUNK, CHUNK)]], rows0, sem0)
            pltpu.make_async_copy(
                x_hbm.at[sb.at[pl.ds(c1 * CHUNK, CHUNK)]], rows1, sem1).wait()
            pltpu.sync_copy(rows1, acc.at[db.at[c1]], add=True)
            return 0
        lax.fori_loop(0, IDX_BLK // 2, pair_body, 0)

    @pl.when(wid < TAIL)
    def _():
        off = (TAIL_BASE + wid) * CHUNK
        pltpu.sync_copy(src_hbm.at[pl.ds(off, CHUNK)],
                        srcblk.at[0, pl.ds(0, CHUNK)])
        pltpu.sync_copy(dst_hbm.at[pl.ds(off, CHUNK)],
                        dst1d.at[pl.ds(0, CHUNK)])

        def rcopy(t, _):
            dstblk[0, 0, pl.ds(t * LANES, LANES)] = dst1d[pl.ds(t * LANES,
                                                               LANES)]
            return 0
        lax.fori_loop(0, CHUNK // LANES, rcopy, 0)
        pltpu.async_copy(x_hbm.at[srcblk.at[0, pl.ds(0, CHUNK)]],
                         rows0, sem0).wait()
        pltpu.sync_copy(rows0, acc.at[dstblk.at[0, 0]], add=True)

    plsc.subcore_barrier()

    def wblock(k, _):
        blk = k * NUM_SUBCORES + sid

        @pl.when(blk < NZB)
        def _():
            pltpu.sync_copy(acc.at[pl.ds(blk * ZBLK, ZBLK)],
                            out_hbm.at[cid, pl.ds(blk * ZBLK, ZBLK)])
        return 0
    lax.fori_loop(0, ZB_ITERS, wblock, 0)


@functools.cache
def _sc_agg():
    return pl.kernel(
        _sc_agg_body,
        mesh=plsc.VectorSubcoreMesh(
            core_axis_name="c", subcore_axis_name="s",
            num_cores=NUM_CORES, num_subcores=NUM_SUBCORES),
        out_type=jax.ShapeDtypeStruct((NUM_CORES, N, D), jnp.float32),
        scratch_types=[
            pltpu.VMEM((2, IDX_BLK * CHUNK), jnp.int32),
            pltpu.VMEM((IDX_BLK * CHUNK,), jnp.int32),
            pltpu.VMEM((2, IDX_BLK, CHUNK), jnp.int32),
            pltpu.VMEM((2, CHUNK, D), jnp.float32),
            pltpu.VMEM_SHARED((N, D), jnp.float32),
            pltpu.SemaphoreType.DMA,
            pltpu.SemaphoreType.DMA,
        ],
    )


SPLIT_BLK = E // 8


def _split_body(ei_ref, s_ref, d_ref):
    s_ref[...] = ei_ref[0]
    d_ref[...] = ei_ref[1]


def _split_edges(edge_index):
    return pl.pallas_call(
        _split_body,
        out_shape=[
            jax.ShapeDtypeStruct((E,), jnp.int32),
            jax.ShapeDtypeStruct((E,), jnp.int32),
        ],
    )(edge_index)


ROWS_TC = 1000


def _tc1_body(p_ref, wg_ref, wo_ref, wm_ref, uw_ref, lc_ref, u_ref):
    agg = p_ref[0] + p_ref[1]
    h = jnp.maximum(jnp.dot(agg, wg_ref[...],
                            preferred_element_type=jnp.float32), 0.0)
    od = jnp.dot(h, wo_ref[...], preferred_element_type=jnp.float32)
    q = jnp.dot(od, wm_ref[...], preferred_element_type=jnp.float32)
    col = lax.broadcasted_iota(jnp.int32, (ROWS_TC, D), 1)
    rloc = lax.broadcasted_iota(jnp.int32, (ROWS_TC, D), 0) % NS
    msk = col == rloc
    lc_ref[...] = jnp.concatenate(
        [jnp.sum(jnp.where(msk, q[:, l * D:(l + 1) * D], 0.0), axis=1,
                 keepdims=True) for l in range(LAT)], axis=1)
    u = (jnp.sum(h, axis=1) * (uw_ref[0] / D)
         + jnp.sum(agg, axis=1) * (uw_ref[1] / D))
    u_ref[...] = u.reshape(ROWS_TC, 1)


def _tc1(partials, W_gnn, W_od, W_mat, utility_w):
    grid = N // ROWS_TC
    return pl.pallas_call(
        _tc1_body,
        grid=(grid,),
        in_specs=[
            pl.BlockSpec((NUM_CORES, ROWS_TC, D), lambda i: (0, i, 0)),
            pl.BlockSpec((D, D), lambda i: (0, 0)),
            pl.BlockSpec((D, NS), lambda i: (0, 0)),
            pl.BlockSpec((NS, D * LAT), lambda i: (0, 0)),
            pl.BlockSpec(memory_space=pltpu.SMEM),
        ],
        out_specs=[
            pl.BlockSpec((ROWS_TC, LAT), lambda i: (i, 0)),
            pl.BlockSpec((ROWS_TC, 1), lambda i: (i, 0)),
        ],
        out_shape=[
            jax.ShapeDtypeStruct((N, LAT), jnp.float32),
            jax.ShapeDtypeStruct((N, 1), jnp.float32),
        ],
    )(partials, W_gnn, W_od, W_mat, utility_w)


def _tc2_body(lc_ref, u_ref, be_ref, wb_ref, bb_ref, out_ref):
    grp = lax.broadcasted_iota(jnp.int32, (B, N), 0)
    row = lax.broadcasted_iota(jnp.int32, (B, N), 1)
    gmat = jnp.where(row // NS == grp, 1.0, 0.0)
    lat = jnp.maximum(
        jnp.dot(gmat, lc_ref[...], preferred_element_type=jnp.float32)
        + be_ref[...], 0.0)
    seat = lax.broadcasted_iota(jnp.int32, (N, NS), 1)
    rloc = lax.broadcasted_iota(jnp.int32, (N, NS), 0) % NS
    usel = jnp.where(seat == rloc, u_ref[...], 0.0)
    u2 = jnp.dot(gmat, usel, preferred_element_type=jnp.float32)
    m = jnp.max(u2, axis=1, keepdims=True)
    e = jnp.exp(u2 - m)
    prob = e / jnp.sum(e, axis=1, keepdims=True)
    out_ref[...] = (jnp.dot(lat, wb_ref[...],
                            preferred_element_type=jnp.float32)
                    + bb_ref[...])
    out_ref[:, :NS] = prob


def _tc2(lc, u, b_enc, W_bot, bias_big):
    return pl.pallas_call(
        _tc2_body,
        out_shape=jax.ShapeDtypeStruct((B, NS + N), jnp.float32),
    )(lc, u, b_enc.reshape(1, LAT), W_bot, bias_big)


def kernel(x_od, edge_index, W_gnn, W_od, W_enc, b_enc, W_dec, b_dec, utility_w):
    zsrc = jnp.zeros((ZBLK, D), jnp.float32)
    src, dst = _split_edges(edge_index)
    partials = _sc_agg()(x_od, zsrc, src, dst)
    W_mat = jnp.pad(W_enc.reshape(NS, NS, LAT).transpose(1, 2, 0),
                    ((0, 0), (0, 0), (0, D - NS))).reshape(NS, D * LAT)
    W_bot = jnp.concatenate(
        [jnp.zeros((LAT, NS), jnp.float32), W_dec], axis=1)
    bias_big = jnp.concatenate(
        [jnp.zeros((NS,), jnp.float32), b_dec]).reshape(1, NS + N)
    lc, u = _tc1(partials, W_gnn, W_od, W_mat, utility_w)
    return _tc2(lc, u, b_enc, W_bot, bias_big)

# --- scband reference (transcript-rebuilt; emitter-appended) ---
"""Pipeline reference for scband-net-att-5128190951678 (READ-ONLY COPY).

The authoritative reference and input builder live on the scoring server;
editing this copy changes nothing except your own understanding.
"""

import jax, jax.numpy as jnp
import numpy as np

N = 10000
E = 320000
D = 128
NS = 100
B = 100
LAT = 5

def setup_inputs(seed: int = 0):
    key = jax.random.key(seed)
    ks = jax.random.split(key, 9)
    x_od = jax.random.normal(ks[0], (N, D), dtype=jnp.float32)
    edge_index = jax.random.randint(ks[1], (2, E), 0, N, dtype=jnp.int32)
    W_gnn = 0.05 * jax.random.normal(ks[2], (D, D), dtype=jnp.float32)
    W_od = 0.05 * jax.random.normal(ks[3], (D, NS), dtype=jnp.float32)
    W_enc = 0.05 * jax.random.normal(ks[4], (NS * NS, LAT), dtype=jnp.float32)
    b_enc = jnp.zeros((LAT,), dtype=jnp.float32)
    W_dec = 0.05 * jax.random.normal(ks[5], (LAT, NS * NS), dtype=jnp.float32)
    b_dec = jnp.zeros((NS * NS,), dtype=jnp.float32)
    utility_w = jnp.array([-1.0, -2.0], dtype=jnp.float32)
    return {"x_od": x_od, "edge_index": edge_index, "W_gnn": W_gnn, "W_od": W_od,
            "W_enc": W_enc, "b_enc": b_enc, "W_dec": W_dec, "b_dec": b_dec,
            "utility_w": utility_w}

def reference(x_od, edge_index, W_gnn, W_od, W_enc, b_enc, W_dec, b_dec, utility_w):
    src = edge_index[0]
    dst = edge_index[1]
    # message passing: gather source node features, scatter-add to destination nodes
    msg = jnp.take(x_od, src, axis=0)
    agg = jax.ops.segment_sum(msg, dst, num_segments=N)
    h = jax.nn.relu(agg @ W_gnn)
    # per-graph OD matrix features fed to SimpleAutoencoder (input_dim = num_nodes*num_nodes)
    od_flat = (h @ W_od).reshape(B, NS * NS)
    latent = jax.nn.relu(od_flat @ W_enc + b_enc)
    recon = latent @ W_dec + b_dec
    # UtilityLayer: 2-feature linear utility per node
    feats = jnp.stack([h.mean(axis=-1), agg.mean(axis=-1)], axis=-1)
    utility = feats @ utility_w
    u = utility.reshape(B, NS)
    # LogitLayer: exp-normalized probability (numerically stabilized, same math)
    exp_u = jnp.exp(u - jnp.max(u, axis=-1, keepdims=True))
    prob = exp_u / exp_u.sum(axis=-1, keepdims=True)
    return jnp.concatenate([prob, recon], axis=1)

if __name__ == "__main__":
    import jax
    _d = setup_inputs()
    print(jax.jit(kernel)(*tuple(_d.values())))

</pallas_src>

<mosaic_0001>
#map = affine_map<(d0, d1) -> (0, 0)>
#map1 = affine_map<(d0, d1) -> (0)>
#map2 = affine_map<(d0, d1) -> (0, 0, 0)>
module attributes {stable_mosaic.version = 14 : i64} {
  func.func @_sc_agg_body(%arg0: i32, %arg1: i32, %arg2: memref<10000x128xf32, #tpu.memory_space<hbm>>, %arg3: memref<200x128xf32, #tpu.memory_space<hbm>>, %arg4: memref<320000xi32, #tpu.memory_space<hbm>>, %arg5: memref<320000xi32, #tpu.memory_space<hbm>>, %arg6: memref<2x10000x128xf32, #tpu.memory_space<hbm>>, %arg7: memref<2x3328xi32, #tpu.memory_space<vmem>>, %arg8: memref<3328xi32, #tpu.memory_space<vmem>>, %arg9: memref<2x26x128xi32, #tpu.memory_space<vmem>>, %arg10: memref<2x128x128xf32, #tpu.memory_space<vmem>>, %arg11: memref<10000x128xf32, #tpu.memory_space<vmem_shared>>, %arg12: memref<!tpu.dma_semaphore, #tpu.memory_space<semaphore_mem>>, %arg13: memref<!tpu.dma_semaphore, #tpu.memory_space<semaphore_mem>>) attributes {dimension_semantics = [#tpu.dimension_semantics<core_parallel>, #tpu.dimension_semantics<subcore_parallel>], iteration_bounds = array<i64: 2, 16>, scalar_prefetch = 0 : i64, scratch_operands = 7 : i64, tpu.core_type = #tpu.core_type<sc_vector_subcore>, window_params = [{transform_indices = #map}, {transform_indices = #map}, {transform_indices = #map1}, {transform_indices = #map1}, {transform_indices = #map2}]} {
    %mul3A = arith.constant 16 : i32
    %mul3A_0 = arith.muli %arg0, %mul3A : i32
    %add3A = arith.addi %mul3A_0, %arg1 : i32
    %mul3A_1 = arith.constant 78 : i32
    %mul3A_2 = arith.muli %add3A, %mul3A_1 : i32
    %add3A_3 = arith.constant 0 : i32
    %add3A_4 = arith.addi %mul3A_2, %add3A_3 : i32
    %mul3A_5 = arith.constant 128 : i32
    %mul3A_6 = arith.muli %add3A_4, %mul3A_5 : i32
    %run_scoped3A = arith.constant 0 : i32
    "tpu.region"() ({
      %run_scoped3A_129 = tpu.sem_alloc : memref<!tpu.dma_semaphore, #tpu.memory_space<semaphore_mem>>
      %dma_start3A_130 = arith.constant 0 : i32
      %dma_start3A_131 = tpu.memref_slice %arg7[%run_scoped3A, %dma_start3A_130] : memref<2x3328xi32, #tpu.memory_space<vmem>> -> memref<1x3328xi32, #tpu.memory_space<vmem>>
      %dma_start3A_132 = tpu.memref_squeeze %dma_start3A_131 : memref<1x3328xi32, #tpu.memory_space<vmem>> -> memref<3328xi32, #tpu.memory_space<vmem>>
      %dma_start3A_133 = tpu.memref_slice %arg4[%mul3A_6] : memref<320000xi32, #tpu.memory_space<hbm>> -> memref<3328xi32, #tpu.memory_space<hbm>>
      %dma_start3A_134 = arith.constant 0 : i32
      %dma_start3A_135 = tpu.memref_slice %arg7[%run_scoped3A, %dma_start3A_134] : memref<2x3328xi32, #tpu.memory_space<vmem>> -> memref<1x3328xi32, #tpu.memory_space<vmem>>
      %dma_start3A_136 = tpu.memref_squeeze %dma_start3A_135 : memref<1x3328xi32, #tpu.memory_space<vmem>> -> memref<3328xi32, #tpu.memory_space<vmem>>
      %dma_start3A_137 = tpu.memref_slice %arg4[%mul3A_6] : memref<320000xi32, #tpu.memory_space<hbm>> -> memref<3328xi32, #tpu.memory_space<hbm>>
      tpu.enqueue_dma source(%dma_start3A_137 : memref<3328xi32, #tpu.memory_space<hbm>>) target(%dma_start3A_136 : memref<3328xi32, #tpu.memory_space<vmem>>) target_semaphore(%run_scoped3A_129 : memref<!tpu.dma_semaphore, #tpu.memory_space<semaphore_mem>>)
      %dma_wait3A = arith.constant 0 : i32
      %dma_wait3A_138 = tpu.memref_slice %arg7[%run_scoped3A, %dma_wait3A] : memref<2x3328xi32, #tpu.memory_space<vmem>> -> memref<1x3328xi32, #tpu.memory_space<vmem>>
      %dma_wait3A_139 = tpu.memref_squeeze %dma_wait3A_138 : memref<1x3328xi32, #tpu.memory_space<vmem>> -> memref<3328xi32, #tpu.memory_space<vmem>>
      %dma_wait3A_140 = tpu.memref_slice %arg4[%mul3A_6] : memref<320000xi32, #tpu.memory_space<hbm>> -> memref<3328xi32, #tpu.memory_space<hbm>>
      %dma_wait3A_141 = arith.constant 0 : i32
      %dma_wait3A_142 = tpu.memref_slice %arg7[%run_scoped3A, %dma_wait3A_141] : memref<2x3328xi32, #tpu.memory_space<vmem>> -> memref<1x3328xi32, #tpu.memory_space<vmem>>
      %dma_wait3A_143 = tpu.memref_squeeze %dma_wait3A_142 : memref<1x3328xi32, #tpu.memory_space<vmem>> -> memref<3328xi32, #tpu.memory_space<vmem>>
      %dma_wait3A_144 = tpu.memref_slice %arg4[%mul3A_6] : memref<320000xi32, #tpu.memory_space<hbm>> -> memref<3328xi32, #tpu.memory_space<hbm>>
      tpu.wait_dma2 semaphore(%run_scoped3A_129 : memref<!tpu.dma_semaphore, #tpu.memory_space<semaphore_mem>>) src(%dma_wait3A_144 : memref<3328xi32, #tpu.memory_space<hbm>>) dst(%dma_wait3A_143 : memref<3328xi32, #tpu.memory_space<vmem>>)
      tpu.yield
    }) : () -> ()
    "tpu.region"() ({
      %run_scoped3A_129 = tpu.sem_alloc : memref<!tpu.dma_semaphore, #tpu.memory_space<semaphore_mem>>
      %dma_start3A_130 = tpu.memref_slice %arg5[%mul3A_6] : memref<320000xi32, #tpu.memory_space<hbm>> -> memref<3328xi32, #tpu.memory_space<hbm>>
      %dma_start3A_131 = tpu.memref_slice %arg5[%mul3A_6] : memref<320000xi32, #tpu.memory_space<hbm>> -> memref<3328xi32, #tpu.memory_space<hbm>>
      tpu.enqueue_dma source(%dma_start3A_131 : memref<3328xi32, #tpu.memory_space<hbm>>) target(%arg8 : memref<3328xi32, #tpu.memory_space<vmem>>) target_semaphore(%run_scoped3A_129 : memref<!tpu.dma_semaphore, #tpu.memory_space<semaphore_mem>>)
      %dma_wait3A = tpu.memref_slice %arg5[%mul3A_6] : memref<320000xi32, #tpu.memory_space<hbm>> -> memref<3328xi32, #tpu.memory_space<hbm>>
      %dma_wait3A_132 = tpu.memref_slice %arg5[%mul3A_6] : memref<320000xi32, #tpu.memory_space<hbm>> -> memref<3328xi32, #tpu.memory_space<hbm>>
      tpu.wait_dma2 semaphore(%run_scoped3A_129 : memref<!tpu.dma_semaphore, #tpu.memory_space<semaphore_mem>>) src(%dma_wait3A_132 : memref<3328xi32, #tpu.memory_space<hbm>>) dst(%arg8 : memref<3328xi32, #tpu.memory_space<vmem>>)
      tpu.yield
    }) : () -> ()
    %scan3A = arith.constant 0 : i32
    %scan3A_7 = arith.constant 0 : i32
    %scan3A_8 = arith.constant 208 : i32
    %scan3A_9 = arith.addi %scan3A_7, %scan3A_8 : i32
    %scan3A_10 = arith.constant 1 : i32
    %scan3A_11 = scf.for %scan3A_129 = %scan3A_7 to %scan3A_9 step %scan3A_10 iter_args(%scan3A_130 = %scan3A) -> (i32)  : i32 {
      %jit3A = arith.constant 8 : i32
      %div3A = arith.divsi %scan3A_129, %jit3A : i32
      %sign3A = arith.constant 0 : i32
      %sign3A_131 = arith.cmpi sgt, %scan3A_129, %sign3A : i32
      %sign3A_132 = arith.extui %sign3A_131 : i1 to i32
      %sign3A_133 = arith.constant 0 : i32
      %sign3A_134 = arith.cmpi slt, %scan3A_129, %sign3A_133 : i32
      %sign3A_135 = arith.extui %sign3A_134 : i1 to i32
      %sign3A_136 = arith.subi %sign3A_132, %sign3A_135 : i32
      %sign3A_137 = arith.constant 0 : i32
      %sign3A_138 = arith.cmpi sgt, %jit3A, %sign3A_137 : i32
      %sign3A_139 = arith.extui %sign3A_138 : i1 to i32
      %sign3A_140 = arith.constant 0 : i32
      %sign3A_141 = arith.cmpi slt, %jit3A, %sign3A_140 : i32
      %sign3A_142 = arith.extui %sign3A_141 : i1 to i32
      %sign3A_143 = arith.subi %sign3A_139, %sign3A_142 : i32
      %ne3A = arith.cmpi ne, %sign3A_136, %sign3A_143 : i32
      %rem3A = arith.remsi %scan3A_129, %jit3A : i32
      %ne3A_144 = arith.constant 0 : i32
      %ne3A_145 = arith.cmpi ne, %rem3A, %ne3A_144 : i32
      %and3A = arith.andi %ne3A, %ne3A_145 : i1
      %sub3A = arith.constant 1 : i32
      %sub3A_146 = arith.subi %div3A, %sub3A : i32
      %select_n3A = arith.select %and3A, %sub3A_146, %div3A : i32
      %jit3A_147 = arith.constant 8 : i32
      %eq3A = arith.constant 0 : i32
      %eq3A_148 = arith.cmpi eq, %jit3A_147, %eq3A : i32
      %jit3A_149 = arith.constant 1 : i32
      %select_n3A_150 = arith.select %eq3A_148, %jit3A_149, %jit3A_147 : i32
      %rem3A_151 = arith.remsi %scan3A_129, %select_n3A_150 : i32
      %ne3A_152 = arith.constant 0 : i32
      %ne3A_153 = arith.cmpi ne, %rem3A_151, %ne3A_152 : i32
      %lt3A_154 = arith.constant 0 : i32
      %lt3A_155 = arith.cmpi slt, %rem3A_151, %lt3A_154 : i32
      %lt3A_156 = arith.constant 0 : i32
      %lt3A_157 = arith.cmpi slt, %select_n3A_150, %lt3A_156 : i32
      %ne3A_158 = arith.xori %lt3A_155, %lt3A_157 : i1
      %and3A_159 = arith.andi %ne3A_158, %ne3A_153 : i1
      %add3A_160 = arith.addi %rem3A_151, %select_n3A_150 : i32
      %select_n3A_161 = arith.select %and3A_159, %add3A_160, %rem3A_151 : i32
      %mul3A_162 = arith.constant 16 : i32
      %mul3A_163 = arith.muli %select_n3A_161, %mul3A_162 : i32
      %mul3A_164 = arith.constant 128 : i32
      %mul3A_165 = arith.muli %select_n3A, %mul3A_164 : i32
      %add3A_166 = arith.addi %mul3A_165, %mul3A_163 : i32
      %get3A = arith.index_cast %add3A_166 : i32 to index
      %get3A_167 = tpu.vector_load %arg8[%get3A] {strides = array<i32>} : memref<3328xi32, #tpu.memory_space<vmem>>, vector<16xi32>,
      %get3A_168 = vector.shape_cast %get3A_167 : vector<16xi32> to vector<16xi32>
      %swap3A = arith.constant 0 : i32
      %swap3A_169 = arith.index_cast %swap3A : i32 to index
      %swap3A_170 = arith.index_cast %select_n3A : i32 to index
      %swap3A_171 = arith.index_cast %mul3A_163 : i32 to index
      %swap3A_172 = tpu.vector_load %arg9[%swap3A_169, %swap3A_170, %swap3A_171] {strides = array<i32>} : memref<2x26x128xi32, #tpu.memory_space<vmem>>, vector<1x1x16xi32>,
      %swap3A_173 = vector.shape_cast %swap3A_172 : vector<1x1x16xi32> to vector<16xi32>
      %swap3A_174 = vector.shape_cast %get3A_168 : vector<16xi32> to vector<1x1x16xi32>
      tpu.vector_store %arg9[%swap3A_169, %swap3A_170, %swap3A_171], %swap3A_174 {strides = array<i32>} : memref<2x26x128xi32, #tpu.memory_space<vmem>>, vector<1x1x16xi32>,
      %scan3A_175 = arith.constant 0 : i32
      scf.yield %scan3A_175 : i32
    }
    %scan3A_12 = arith.constant 208 : i32
    %scan3A_13 = arith.constant 0 : i32
    %scan3A_14 = arith.constant 0 : i32
    %scan3A_15 = arith.constant 4 : i32
    %scan3A_16 = arith.addi %scan3A_14, %scan3A_15 : i32
    %scan3A_17 = arith.constant 1 : i32
    %scan3A_18 = scf.for %scan3A_129 = %scan3A_14 to %scan3A_16 step %scan3A_17 iter_args(%scan3A_130 = %scan3A_13) -> (i32)  : i32 {
      %mul3A_131 = arith.constant 16 : i32
      %mul3A_132 = arith.muli %scan3A_129, %mul3A_131 : i32
      %add3A_133 = arith.addi %mul3A_132, %arg1 : i32
      %lt3A_134 = arith.constant 50 : i32
      %lt3A_135 = arith.cmpi slt, %add3A_133, %lt3A_134 : i32
      %convert_element_type3A_136 = arith.extui %lt3A_135 : i1 to i32
      %cond3A_137 = arith.constant 0 : i32
      %cond3A_138 = arith.cmpi ne, %convert_element_type3A_136, %cond3A_137 : i32
      scf.if %cond3A_138 {
        %mul3A_140 = arith.constant 200 : i32
        %mul3A_141 = arith.muli %add3A_133, %mul3A_140 : i32
        "tpu.region"() ({
          %run_scoped3A_142 = tpu.sem_alloc : memref<!tpu.dma_semaphore, #tpu.memory_space<semaphore_mem>>
          %dma_start3A_143 = arith.constant 0 : i32
          %dma_start3A_144 = tpu.memref_slice %arg11[%mul3A_141, %dma_start3A_143] : memref<10000x128xf32, #tpu.memory_space<vmem_shared>> -> memref<200x128xf32, #tpu.memory_space<vmem_shared>>
          tpu.enqueue_dma source(%arg3 : memref<200x128xf32, #tpu.memory_space<hbm>>) target(%dma_start3A_144 : memref<200x128xf32, #tpu.memory_space<vmem_shared>>) target_semaphore(%run_scoped3A_142 : memref<!tpu.dma_semaphore, #tpu.memory_space<semaphore_mem>>)
          %dma_wait3A = arith.constant 0 : i32
          %dma_wait3A_145 = tpu.memref_slice %arg11[%mul3A_141, %dma_wait3A] : memref<10000x128xf32, #tpu.memory_space<vmem_shared>> -> memref<200x128xf32, #tpu.memory_space<vmem_shared>>
          tpu.wait_dma2 semaphore(%run_scoped3A_142 : memref<!tpu.dma_semaphore, #tpu.memory_space<semaphore_mem>>) src(%arg3 : memref<200x128xf32, #tpu.memory_space<hbm>>) dst(%dma_wait3A_145 : memref<200x128xf32, #tpu.memory_space<vmem_shared>>)
          tpu.yield
        }) : () -> ()
      } else {
      }
      %scan3A_139 = arith.constant 0 : i32
      scf.yield %scan3A_139 : i32
    }
    %scan3A_19 = arith.constant 4 : i32
    %barrier3A = arith.constant 0 : index
    tpu.barrier barrier_id(%barrier3A)
    %dma_start3A = arith.constant 0 : i32
    %dma_start3A_20 = arith.constant 0 : i32
    %dma_start3A_21 = arith.constant 0 : i32
    %dma_start3A_22 = arith.constant 0 : i32
    %dma_start3A_23 = tpu.memref_slice %arg10[%dma_start3A_20, %dma_start3A_21, %dma_start3A_22] : memref<2x128x128xf32, #tpu.memory_space<vmem>> -> memref<1x128x128xf32, #tpu.memory_space<vmem>>
    %dma_start3A_24 = tpu.memref_squeeze %dma_start3A_23 : memref<1x128x128xf32, #tpu.memory_space<vmem>> -> memref<128x128xf32, #tpu.memory_space<vmem>>
    %dma_start3A_25 = arith.constant 0 : i32
    %dma_start3A_26 = tpu.memref_slice %arg7[%dma_start3A, %dma_start3A_25] : memref<2x3328xi32, #tpu.memory_space<vmem>> -> memref<1x3328xi32, #tpu.memory_space<vmem>>
    %dma_start3A_27 = tpu.memref_squeeze %dma_start3A_26 : memref<1x3328xi32, #tpu.memory_space<vmem>> -> memref<3328xi32, #tpu.memory_space<vmem>>
    %dma_start3A_28 = arith.constant 0 : i32
    %dma_start3A_29 = tpu.memref_slice %dma_start3A_27[%dma_start3A_28] : memref<3328xi32, #tpu.memory_space<vmem>> -> memref<128xi32, #tpu.memory_space<vmem>>
    %dma_start3A_30 = arith.constant 0 : i32
    %dma_start3A_31 = arith.constant 0 : i32
    %dma_start3A_32 = tpu.memref_slice %arg2[%dma_start3A_30, %dma_start3A_31] : memref<10000x128xf32, #tpu.memory_space<hbm>> -> memref<10000x128xf32, #tpu.memory_space<hbm>>
    tpu.enqueue_indirect_dma source(%dma_start3A_32 : memref<10000x128xf32, #tpu.memory_space<hbm>>) target(%dma_start3A_24 : memref<128x128xf32, #tpu.memory_space<vmem>>) offsets(%dma_start3A_29 : memref<128xi32, #tpu.memory_space<vmem>>) semaphore(%arg12 : memref<!tpu.dma_semaphore, #tpu.memory_space<semaphore_mem>>)
    %add3A_33 = arith.constant 26 : i32
    %add3A_34 = arith.addi %mul3A_2, %add3A_33 : i32
    %mul3A_35 = arith.constant 128 : i32
    %mul3A_36 = arith.muli %add3A_34, %mul3A_35 : i32
    %run_scoped3A_37 = arith.constant 1 : i32
    "tpu.region"() ({
      %run_scoped3A_129 = tpu.sem_alloc : memref<!tpu.dma_semaphore, #tpu.memory_space<semaphore_mem>>
      %dma_start3A_130 = arith.constant 0 : i32
      %dma_start3A_131 = tpu.memref_slice %arg7[%run_scoped3A_37, %dma_start3A_130] : memref<2x3328xi32, #tpu.memory_space<vmem>> -> memref<1x3328xi32, #tpu.memory_space<vmem>>
      %dma_start3A_132 = tpu.memref_squeeze %dma_start3A_131 : memref<1x3328xi32, #tpu.memory_space<vmem>> -> memref<3328xi32, #tpu.memory_space<vmem>>
      %dma_start3A_133 = tpu.memref_slice %arg4[%mul3A_36] : memref<320000xi32, #tpu.memory_space<hbm>> -> memref<3328xi32, #tpu.memory_space<hbm>>
      %dma_start3A_134 = arith.constant 0 : i32
      %dma_start3A_135 = tpu.memref_slice %arg7[%run_scoped3A_37, %dma_start3A_134] : memref<2x3328xi32, #tpu.memory_space<vmem>> -> memref<1x3328xi32, #tpu.memory_space<vmem>>
      %dma_start3A_136 = tpu.memref_squeeze %dma_start3A_135 : memref<1x3328xi32, #tpu.memory_space<vmem>> -> memref<3328xi32, #tpu.memory_space<vmem>>
      %dma_start3A_137 = tpu.memref_slice %arg4[%mul3A_36] : memref<320000xi32, #tpu.memory_space<hbm>> -> memref<3328xi32, #tpu.memory_space<hbm>>
      tpu.enqueue_dma source(%dma_start3A_137 : memref<3328xi32, #tpu.memory_space<hbm>>) target(%dma_start3A_136 : memref<3328xi32, #tpu.memory_space<vmem>>) target_semaphore(%run_scoped3A_129 : memref<!tpu.dma_semaphore, #tpu.memory_space<semaphore_mem>>)
      %dma_wait3A = arith.constant 0 : i32
      %dma_wait3A_138 = tpu.memref_slice %arg7[%run_scoped3A_37, %dma_wait3A] : memref<2x3328xi32, #tpu.memory_space<vmem>> -> memref<1x3328xi32, #tpu.memory_space<vmem>>
      %dma_wait3A_139 = tpu.memref_squeeze %dma_wait3A_138 : memref<1x3328xi32, #tpu.memory_space<vmem>> -> memref<3328xi32, #tpu.memory_space<vmem>>
      %dma_wait3A_140 = tpu.memref_slice %arg4[%mul3A_36] : memref<320000xi32, #tpu.memory_space<hbm>> -> memref<3328xi32, #tpu.memory_space<hbm>>
      %dma_wait3A_141 = arith.constant 0 : i32
      %dma_wait3A_142 = tpu.memref_slice %arg7[%run_scoped3A_37, %dma_wait3A_141] : memref<2x3328xi32, #tpu.memory_space<vmem>> -> memref<1x3328xi32, #tpu.memory_space<vmem>>
      %dma_wait3A_143 = tpu.memref_squeeze %dma_wait3A_142 : memref<1x3328xi32, #tpu.memory_space<vmem>> -> memref<3328xi32, #tpu.memory_space<vmem>>
      %dma_wait3A_144 = tpu.memref_slice %arg4[%mul3A_36] : memref<320000xi32, #tpu.memory_space<hbm>> -> memref<3328xi32, #tpu.memory_space<hbm>>
      tpu.wait_dma2 semaphore(%run_scoped3A_129 : memref<!tpu.dma_semaphore, #tpu.memory_space<semaphore_mem>>) src(%dma_wait3A_144 : memref<3328xi32, #tpu.memory_space<hbm>>) dst(%dma_wait3A_143 : memref<3328xi32, #tpu.memory_space<vmem>>)
      tpu.yield
    }) : () -> ()
    "tpu.region"() ({
      %run_scoped3A_129 = tpu.sem_alloc : memref<!tpu.dma_semaphore, #tpu.memory_space<semaphore_mem>>
      %dma_start3A_130 = tpu.memref_slice %arg5[%mul3A_36] : memref<320000xi32, #tpu.memory_space<hbm>> -> memref<3328xi32, #tpu.memory_space<hbm>>
      %dma_start3A_131 = tpu.memref_slice %arg5[%mul3A_36] : memref<320000xi32, #tpu.memory_space<hbm>> -> memref<3328xi32, #tpu.memory_space<hbm>>
      tpu.enqueue_dma source(%dma_start3A_131 : memref<3328xi32, #tpu.memory_space<hbm>>) target(%arg8 : memref<3328xi32, #tpu.memory_space<vmem>>) target_semaphore(%run_scoped3A_129 : memref<!tpu.dma_semaphore, #tpu.memory_space<semaphore_mem>>)
      %dma_wait3A = tpu.memref_slice %arg5[%mul3A_36] : memref<320000xi32, #tpu.memory_space<hbm>> -> memref<3328xi32, #tpu.memory_space<hbm>>
      %dma_wait3A_132 = tpu.memref_slice %arg5[%mul3A_36] : memref<320000xi32, #tpu.memory_space<hbm>> -> memref<3328xi32, #tpu.memory_space<hbm>>
      tpu.wait_dma2 semaphore(%run_scoped3A_129 : memref<!tpu.dma_semaphore, #tpu.memory_space<semaphore_mem>>) src(%dma_wait3A_132 : memref<3328xi32, #tpu.memory_space<hbm>>) dst(%arg8 : memref<3328xi32, #tpu.memory_space<vmem>>)
      tpu.yield
    }) : () -> ()
    %scan3A_38 = arith.constant 0 : i32
    %scan3A_39 = arith.constant 0 : i32
    %scan3A_40 = arith.constant 208 : i32
    %scan3A_41 = arith.addi %scan3A_39, %scan3A_40 : i32
    %scan3A_42 = arith.constant 1 : i32
    %scan3A_43 = scf.for %scan3A_129 = %scan3A_39 to %scan3A_41 step %scan3A_42 iter_args(%scan3A_130 = %scan3A_38) -> (i32)  : i32 {
      %jit3A = arith.constant 8 : i32
      %div3A = arith.divsi %scan3A_129, %jit3A : i32
      %sign3A = arith.constant 0 : i32
      %sign3A_131 = arith.cmpi sgt, %scan3A_129, %sign3A : i32
      %sign3A_132 = arith.extui %sign3A_131 : i1 to i32
      %sign3A_133 = arith.constant 0 : i32
      %sign3A_134 = arith.cmpi slt, %scan3A_129, %sign3A_133 : i32
      %sign3A_135 = arith.extui %sign3A_134 : i1 to i32
      %sign3A_136 = arith.subi %sign3A_132, %sign3A_135 : i32
      %sign3A_137 = arith.constant 0 : i32
      %sign3A_138 = arith.cmpi sgt, %jit3A, %sign3A_137 : i32
      %sign3A_139 = arith.extui %sign3A_138 : i1 to i32
      %sign3A_140 = arith.constant 0 : i32
      %sign3A_141 = arith.cmpi slt, %jit3A, %sign3A_140 : i32
      %sign3A_142 = arith.extui %sign3A_141 : i1 to i32
      %sign3A_143 = arith.subi %sign3A_139, %sign3A_142 : i32
      %ne3A = arith.cmpi ne, %sign3A_136, %sign3A_143 : i32
      %rem3A = arith.remsi %scan3A_129, %jit3A : i32
      %ne3A_144 = arith.constant 0 : i32
      %ne3A_145 = arith.cmpi ne, %rem3A, %ne3A_144 : i32
      %and3A = arith.andi %ne3A, %ne3A_145 : i1
      %sub3A = arith.constant 1 : i32
      %sub3A_146 = arith.subi %div3A, %sub3A : i32
      %select_n3A = arith.select %and3A, %sub3A_146, %div3A : i32
      %jit3A_147 = arith.constant 8 : i32
      %eq3A = arith.constant 0 : i32
      %eq3A_148 = arith.cmpi eq, %jit3A_147, %eq3A : i32
      %jit3A_149 = arith.constant 1 : i32
      %select_n3A_150 = arith.select %eq3A_148, %jit3A_149, %jit3A_147 : i32
      %rem3A_151 = arith.remsi %scan3A_129, %select_n3A_150 : i32
      %ne3A_152 = arith.constant 0 : i32
      %ne3A_153 = arith.cmpi ne, %rem3A_151, %ne3A_152 : i32
      %lt3A_154 = arith.constant 0 : i32
      %lt3A_155 = arith.cmpi slt, %rem3A_151, %lt3A_154 : i32
      %lt3A_156 = arith.constant 0 : i32
      %lt3A_157 = arith.cmpi slt, %select_n3A_150, %lt3A_156 : i32
      %ne3A_158 = arith.xori %lt3A_155, %lt3A_157 : i1
      %and3A_159 = arith.andi %ne3A_158, %ne3A_153 : i1
      %add3A_160 = arith.addi %rem3A_151, %select_n3A_150 : i32
      %select_n3A_161 = arith.select %and3A_159, %add3A_160, %rem3A_151 : i32
      %mul3A_162 = arith.constant 16 : i32
      %mul3A_163 = arith.muli %select_n3A_161, %mul3A_162 : i32
      %mul3A_164 = arith.constant 128 : i32
      %mul3A_165 = arith.muli %select_n3A, %mul3A_164 : i32
      %add3A_166 = arith.addi %mul3A_165, %mul3A_163 : i32
      %get3A = arith.index_cast %add3A_166 : i32 to index
      %get3A_167 = tpu.vector_load %arg8[%get3A] {strides = array<i32>} : memref<3328xi32, #tpu.memory_space<vmem>>, vector<16xi32>,
      %get3A_168 = vector.shape_cast %get3A_167 : vector<16xi32> to vector<16xi32>
      %swap3A = arith.constant 1 : i32
      %swap3A_169 = arith.index_cast %swap3A : i32 to index
      %swap3A_170 = arith.index_cast %select_n3A : i32 to index
      %swap3A_171 = arith.index_cast %mul3A_163 : i32 to index
      %swap3A_172 = tpu.vector_load %arg9[%swap3A_169, %swap3A_170, %swap3A_171] {strides = array<i32>} : memref<2x26x128xi32, #tpu.memory_space<vmem>>, vector<1x1x16xi32>,
      %swap3A_173 = vector.shape_cast %swap3A_172 : vector<1x1x16xi32> to vector<16xi32>
      %swap3A_174 = vector.shape_cast %get3A_168 : vector<16xi32> to vector<1x1x16xi32>
      tpu.vector_store %arg9[%swap3A_169, %swap3A_170, %swap3A_171], %swap3A_174 {strides = array<i32>} : memref<2x26x128xi32, #tpu.memory_space<vmem>>, vector<1x1x16xi32>,
      %scan3A_175 = arith.constant 0 : i32
      scf.yield %scan3A_175 : i32
    }
    %scan3A_44 = arith.constant 208 : i32
    %scan3A_45 = arith.constant 0 : i32
    %scan3A_46 = arith.constant 1 : i32
    %scan3A_47 = arith.constant 0 : i32
    %scan3A_48 = arith.constant 0 : i32
    %scan3A_49 = arith.constant 0 : i32
    %scan3A_50 = arith.constant 0 : i32
    %scan3A_51 = arith.constant 13 : i32
    %scan3A_52 = arith.addi %scan3A_50, %scan3A_51 : i32
    %scan3A_53 = arith.constant 1 : i32
    %scan3A_54 = scf.for %scan3A_129 = %scan3A_50 to %scan3A_52 step %scan3A_53 iter_args(%scan3A_130 = %scan3A_49) -> (i32)  : i32 {
      %mul3A_131 = arith.constant 2 : i32
      %mul3A_132 = arith.muli %mul3A_131, %scan3A_129 : i32
      %mul3A_133 = arith.constant 2 : i32
      %mul3A_134 = arith.muli %mul3A_133, %scan3A_129 : i32
      %add3A_135 = arith.constant 1 : i32
      %add3A_136 = arith.addi %mul3A_134, %add3A_135 : i32
      %mul3A_137 = arith.constant 128 : i32
      %mul3A_138 = arith.muli %add3A_136, %mul3A_137 : i32
      %dma_start3A_139 = arith.constant 0 : i32
      %dma_start3A_140 = arith.constant 0 : i32
      %dma_start3A_141 = tpu.memref_slice %arg10[%scan3A_46, %dma_start3A_139, %dma_start3A_140] : memref<2x128x128xf32, #tpu.memory_space<vmem>> -> memref<1x128x128xf32, #tpu.memory_space<vmem>>
      %dma_start3A_142 = tpu.memref_squeeze %dma_start3A_141 : memref<1x128x128xf32, #tpu.memory_space<vmem>> -> memref<128x128xf32, #tpu.memory_space<vmem>>
      %dma_start3A_143 = arith.constant 0 : i32
      %dma_start3A_144 = tpu.memref_slice %arg7[%scan3A_45, %dma_start3A_143] : memref<2x3328xi32, #tpu.memory_space<vmem>> -> memref<1x3328xi32, #tpu.memory_space<vmem>>
      %dma_start3A_145 = tpu.memref_squeeze %dma_start3A_144 : memref<1x3328xi32, #tpu.memory_space<vmem>> -> memref<3328xi32, #tpu.memory_space<vmem>>
      %dma_start3A_146 = tpu.memref_slice %dma_start3A_145[%mul3A_138] : memref<3328xi32, #tpu.memory_space<vmem>> -> memref<128xi32, #tpu.memory_space<vmem>>
      %dma_start3A_147 = arith.constant 0 : i32
      %dma_start3A_148 = arith.constant 0 : i32
      %dma_start3A_149 = tpu.memref_slice %arg2[%dma_start3A_147, %dma_start3A_148] : memref<10000x128xf32, #tpu.memory_space<hbm>> -> memref<10000x128xf32, #tpu.memory_space<hbm>>
      tpu.enqueue_indirect_dma source(%dma_start3A_149 : memref<10000x128xf32, #tpu.memory_space<hbm>>) target(%dma_start3A_142 : memref<128x128xf32, #tpu.memory_space<vmem>>) offsets(%dma_start3A_146 : memref<128xi32, #tpu.memory_space<vmem>>) semaphore(%arg13 : memref<!tpu.dma_semaphore, #tpu.memory_space<semaphore_mem>>)
      %mul3A_150 = arith.constant 128 : i32
      %mul3A_151 = arith.muli %mul3A_132, %mul3A_150 : i32
      %dma_wait3A = arith.constant 0 : i32
      %dma_wait3A_152 = arith.constant 0 : i32
      %dma_wait3A_153 = tpu.memref_slice %arg10[%scan3A_47, %dma_wait3A, %dma_wait3A_152] : memref<2x128x128xf32, #tpu.memory_space<vmem>> -> memref<1x128x128xf32, #tpu.memory_space<vmem>>
      %dma_wait3A_154 = tpu.memref_squeeze %dma_wait3A_153 : memref<1x128x128xf32, #tpu.memory_space<vmem>> -> memref<128x128xf32, #tpu.memory_space<vmem>>
      %dma_wait3A_155 = arith.constant 0 : i32
      %dma_wait3A_156 = tpu.memref_slice %arg7[%scan3A_45, %dma_wait3A_155] : memref<2x3328xi32, #tpu.memory_space<vmem>> -> memref<1x3328xi32, #tpu.memory_space<vmem>>
      %dma_wait3A_157 = tpu.memref_squeeze %dma_wait3A_156 : memref<1x3328xi32, #tpu.memory_space<vmem>> -> memref<3328xi32, #tpu.memory_space<vmem>>
      %dma_wait3A_158 = tpu.memref_slice %dma_wait3A_157[%mul3A_151] : memref<3328xi32, #tpu.memory_space<vmem>> -> memref<128xi32, #tpu.memory_space<vmem>>
      %dma_wait3A_159 = arith.constant 0 : i32
      %dma_wait3A_160 = arith.constant 0 : i32
      %dma_wait3A_161 = tpu.memref_slice %arg2[%dma_wait3A_159, %dma_wait3A_160] : memref<10000x128xf32, #tpu.memory_space<hbm>> -> memref<10000x128xf32, #tpu.memory_space<hbm>>
      tpu.wait_indirect_dma semaphore(%arg12 : memref<!tpu.dma_semaphore, #tpu.memory_space<semaphore_mem>>) src(%dma_wait3A_161 : memref<10000x128xf32, #tpu.memory_space<hbm>>) dst(%dma_wait3A_154 : memref<128x128xf32, #tpu.memory_space<vmem>>)
      "tpu.region"() ({
        %run_scoped3A_183 = tpu.sem_alloc : memref<!tpu.dma_semaphore, #tpu.memory_space<semaphore_mem>>
        %dma_start3A_184 = arith.constant 0 : i32
        %dma_start3A_185 = arith.constant 0 : i32
        %dma_start3A_186 = tpu.memref_slice %arg10[%scan3A_47, %dma_start3A_184, %dma_start3A_185] : memref<2x128x128xf32, #tpu.memory_space<vmem>> -> memref<1x128x128xf32, #tpu.memory_space<vmem>>
        %dma_start3A_187 = tpu.memref_squeeze %dma_start3A_186 : memref<1x128x128xf32, #tpu.memory_space<vmem>> -> memref<128x128xf32, #tpu.memory_space<vmem>>
        %dma_start3A_188 = arith.constant 0 : i32
        %dma_start3A_189 = arith.constant 0 : i32
        %dma_start3A_190 = tpu.memref_slice %arg9[%scan3A_48, %dma_start3A_188, %dma_start3A_189] : memref<2x26x128xi32, #tpu.memory_space<vmem>> -> memref<1x26x128xi32, #tpu.memory_space<vmem>>
        %dma_start3A_191 = tpu.memref_squeeze %dma_start3A_190 : memref<1x26x128xi32, #tpu.memory_space<vmem>> -> memref<26x128xi32, #tpu.memory_space<vmem>>
        %dma_start3A_192 = arith.constant 0 : i32
        %dma_start3A_193 = tpu.memref_slice %dma_start3A_191[%mul3A_132, %dma_start3A_192] : memref<26x128xi32, #tpu.memory_space<vmem>> -> memref<1x128xi32, #tpu.memory_space<vmem>>
        %dma_start3A_194 = tpu.memref_squeeze %dma_start3A_193 : memref<1x128xi32, #tpu.memory_space<vmem>> -> memref<128xi32, #tpu.memory_space<vmem>>
        %dma_start3A_195 = arith.constant 0 : i32
        %dma_start3A_196 = arith.constant 0 : i32
        %dma_start3A_197 = tpu.memref_slice %arg11[%dma_start3A_195, %dma_start3A_196] : memref<10000x128xf32, #tpu.memory_space<vmem_shared>> -> memref<10000x128xf32, #tpu.memory_space<vmem_shared>>
        tpu.enqueue_indirect_dma source(%dma_start3A_187 : memref<128x128xf32, #tpu.memory_space<vmem>>) target(%dma_start3A_197 : memref<10000x128xf32, #tpu.memory_space<vmem_shared>>) offsets(%dma_start3A_194 : memref<128xi32, #tpu.memory_space<vmem>>) semaphore(%run_scoped3A_183 : memref<!tpu.dma_semaphore, #tpu.memory_space<semaphore_mem>>) {add = true}
        %dma_wait3A_198 = arith.constant 0 : i32
        %dma_wait3A_199 = arith.constant 0 : i32
        %dma_wait3A_200 = tpu.memref_slice %arg10[%scan3A_47, %dma_wait3A_198, %dma_wait3A_199] : memref<2x128x128xf32, #tpu.memory_space<vmem>> -> memref<1x128x128xf32, #tpu.memory_space<vmem>>
        %dma_wait3A_201 = tpu.memref_squeeze %dma_wait3A_200 : memref<1x128x128xf32, #tpu.memory_space<vmem>> -> memref<128x128xf32, #tpu.memory_space<vmem>>
        %dma_wait3A_202 = arith.constant 0 : i32
        %dma_wait3A_203 = arith.constant 0 : i32
        %dma_wait3A_204 = tpu.memref_slice %arg9[%scan3A_48, %dma_wait3A_202, %dma_wait3A_203] : memref<2x26x128xi32, #tpu.memory_space<vmem>> -> memref<1x26x128xi32, #tpu.memory_space<vmem>>
        %dma_wait3A_205 = tpu.memref_squeeze %dma_wait3A_204 : memref<1x26x128xi32, #tpu.memory_space<vmem>> -> memref<26x128xi32, #tpu.memory_space<vmem>>
        %dma_wait3A_206 = arith.constant 0 : i32
        %dma_wait3A_207 = tpu.memref_slice %dma_wait3A_205[%mul3A_132, %dma_wait3A_206] : memref<26x128xi32, #tpu.memory_space<vmem>> -> memref<1x128xi32, #tpu.memory_space<vmem>>
        %dma_wait3A_208 = tpu.memref_squeeze %dma_wait3A_207 : memref<1x128xi32, #tpu.memory_space<vmem>> -> memref<128xi32, #tpu.memory_space<vmem>>
        %dma_wait3A_209 = arith.constant 0 : i32
        %dma_wait3A_210 = arith.constant 0 : i32
        %dma_wait3A_211 = tpu.memref_slice %arg11[%dma_wait3A_209, %dma_wait3A_210] : memref<10000x128xf32, #tpu.memory_space<vmem_shared>> -> memref<10000x128xf32, #tpu.memory_space<vmem_shared>>
        tpu.wait_indirect_dma semaphore(%run_scoped3A_183 : memref<!tpu.dma_semaphore, #tpu.memory_space<semaphore_mem>>) src(%dma_wait3A_201 : memref<128x128xf32, #tpu.memory_space<vmem>>) dst(%dma_wait3A_211 : memref<10000x128xf32, #tpu.memory_space<vmem_shared>>)
        tpu.yield
      }) : () -> ()
      %add3A_162 = arith.constant 1 : i32
      %add3A_163 = arith.addi %add3A_136, %add3A_162 : i32
      %lt3A_164 = arith.constant 26 : i32
      %lt3A_165 = arith.cmpi slt, %add3A_163, %lt3A_164 : i32
      %convert_element_type3A_166 = arith.extui %lt3A_165 : i1 to i32
      %cond3A_167 = arith.constant 0 : i32
      %cond3A_168 = arith.cmpi ne, %convert_element_type3A_166, %cond3A_167 : i32
      scf.if %cond3A_168 {
        %add3A_183 = arith.constant 1 : i32
        %add3A_184 = arith.addi %add3A_136, %add3A_183 : i32
        %min3A = arith.constant 25 : i32
        %min3A_185 = arith.minsi %add3A_184, %min3A : i32
        %mul3A_186 = arith.constant 128 : i32
        %mul3A_187 = arith.muli %min3A_185, %mul3A_186 : i32
        %dma_start3A_188 = arith.constant 0 : i32
        %dma_start3A_189 = arith.constant 0 : i32
        %dma_start3A_190 = tpu.memref_slice %arg10[%scan3A_47, %dma_start3A_188, %dma_start3A_189] : memref<2x128x128xf32, #tpu.memory_space<vmem>> -> memref<1x128x128xf32, #tpu.memory_space<vmem>>
        %dma_start3A_191 = tpu.memref_squeeze %dma_start3A_190 : memref<1x128x128xf32, #tpu.memory_space<vmem>> -> memref<128x128xf32, #tpu.memory_space<vmem>>
        %dma_start3A_192 = arith.constant 0 : i32
        %dma_start3A_193 = tpu.memref_slice %arg7[%scan3A_45, %dma_start3A_192] : memref<2x3328xi32, #tpu.memory_space<vmem>> -> memref<1x3328xi32, #tpu.memory_space<vmem>>
        %dma_start3A_194 = tpu.memref_squeeze %dma_start3A_193 : memref<1x3328xi32, #tpu.memory_space<vmem>> -> memref<3328xi32, #tpu.memory_space<vmem>>
        %dma_start3A_195 = tpu.memref_slice %dma_start3A_194[%mul3A_187] : memref<3328xi32, #tpu.memory_space<vmem>> -> memref<128xi32, #tpu.memory_space<vmem>>
        %dma_start3A_196 = arith.constant 0 : i32
        %dma_start3A_197 = arith.constant 0 : i32
        %dma_start3A_198 = tpu.memref_slice %arg2[%dma_start3A_196, %dma_start3A_197] : memref<10000x128xf32, #tpu.memory_space<hbm>> -> memref<10000x128xf32, #tpu.memory_space<hbm>>
        tpu.enqueue_indirect_dma source(%dma_start3A_198 : memref<10000x128xf32, #tpu.memory_space<hbm>>) target(%dma_start3A_191 : memref<128x128xf32, #tpu.memory_space<vmem>>) offsets(%dma_start3A_195 : memref<128xi32, #tpu.memory_space<vmem>>) semaphore(%arg12 : memref<!tpu.dma_semaphore, #tpu.memory_space<semaphore_mem>>)
      } else {
      }
      %mul3A_169 = arith.constant 128 : i32
      %mul3A_170 = arith.muli %add3A_136, %mul3A_169 : i32
      %dma_wait3A_171 = arith.constant 0 : i32
      %dma_wait3A_172 = arith.constant 0 : i32
      %dma_wait3A_173 = tpu.memref_slice %arg10[%scan3A_46, %dma_wait3A_171, %dma_wait3A_172] : memref<2x128x128xf32, #tpu.memory_space<vmem>> -> memref<1x128x128xf32, #tpu.memory_space<vmem>>
      %dma_wait3A_174 = tpu.memref_squeeze %dma_wait3A_173 : memref<1x128x128xf32, #tpu.memory_space<vmem>> -> memref<128x128xf32, #tpu.memory_space<vmem>>
      %dma_wait3A_175 = arith.constant 0 : i32
      %dma_wait3A_176 = tpu.memref_slice %arg7[%scan3A_45, %dma_wait3A_175] : memref<2x3328xi32, #tpu.memory_space<vmem>> -> memref<1x3328xi32, #tpu.memory_space<vmem>>
      %dma_wait3A_177 = tpu.memref_squeeze %dma_wait3A_176 : memref<1x3328xi32, #tpu.memory_space<vmem>> -> memref<3328xi32, #tpu.memory_space<vmem>>
      %dma_wait3A_178 = tpu.memref_slice %dma_wait3A_177[%mul3A_170] : memref<3328xi32, #tpu.memory_space<vmem>> -> memref<128xi32, #tpu.memory_space<vmem>>
      %dma_wait3A_179 = arith.constant 0 : i32
      %dma_wait3A_180 = arith.constant 0 : i32
      %dma_wait3A_181 = tpu.memref_slice %arg2[%dma_wait3A_179, %dma_wait3A_180] : memref<10000x128xf32, #tpu.memory_space<hbm>> -> memref<10000x128xf32, #tpu.memory_space<hbm>>
      tpu.wait_indirect_dma semaphore(%arg13 : memref<!tpu.dma_semaphore, #tpu.memory_space<semaphore_mem>>) src(%dma_wait3A_181 : memref<10000x128xf32, #tpu.memory_space<hbm>>) dst(%dma_wait3A_174 : memref<128x128xf32, #tpu.memory_space<vmem>>)
      "tpu.region"() ({
        %run_scoped3A_183 = tpu.sem_alloc : memref<!tpu.dma_semaphore, #tpu.memory_space<semaphore_mem>>
        %dma_start3A_184 = arith.constant 0 : i32
        %dma_start3A_185 = arith.constant 0 : i32
        %dma_start3A_186 = tpu.memref_slice %arg10[%scan3A_46, %dma_start3A_184, %dma_start3A_185] : memref<2x128x128xf32, #tpu.memory_space<vmem>> -> memref<1x128x128xf32, #tpu.memory_space<vmem>>
        %dma_start3A_187 = tpu.memref_squeeze %dma_start3A_186 : memref<1x128x128xf32, #tpu.memory_space<vmem>> -> memref<128x128xf32, #tpu.memory_space<vmem>>
        %dma_start3A_188 = arith.constant 0 : i32
        %dma_start3A_189 = arith.constant 0 : i32
        %dma_start3A_190 = tpu.memref_slice %arg9[%scan3A_48, %dma_start3A_188, %dma_start3A_189] : memref<2x26x128xi32, #tpu.memory_space<vmem>> -> memref<1x26x128xi32, #tpu.memory_space<vmem>>
        %dma_start3A_191 = tpu.memref_squeeze %dma_start3A_190 : memref<1x26x128xi32, #tpu.memory_space<vmem>> -> memref<26x128xi32, #tpu.memory_space<vmem>>
        %dma_start3A_192 = arith.constant 0 : i32
        %dma_start3A_193 = tpu.memref_slice %dma_start3A_191[%add3A_136, %dma_start3A_192] : memref<26x128xi32, #tpu.memory_space<vmem>> -> memref<1x128xi32, #tpu.memory_space<vmem>>
        %dma_start3A_194 = tpu.memref_squeeze %dma_start3A_193 : memref<1x128xi32, #tpu.memory_space<vmem>> -> memref<128xi32, #tpu.memory_space<vmem>>
        %dma_start3A_195 = arith.constant 0 : i32
        %dma_start3A_196 = arith.constant 0 : i32
        %dma_start3A_197 = tpu.memref_slice %arg11[%dma_start3A_195, %dma_start3A_196] : memref<10000x128xf32, #tpu.memory_space<vmem_shared>> -> memref<10000x128xf32, #tpu.memory_space<vmem_shared>>
        tpu.enqueue_indirect_dma source(%dma_start3A_187 : memref<128x128xf32, #tpu.memory_space<vmem>>) target(%dma_start3A_197 : memref<10000x128xf32, #tpu.memory_space<vmem_shared>>) offsets(%dma_start3A_194 : memref<128xi32, #tpu.memory_space<vmem>>) semaphore(%run_scoped3A_183 : memref<!tpu.dma_semaphore, #tpu.memory_space<semaphore_mem>>) {add = true}
        %dma_wait3A_198 = arith.constant 0 : i32
        %dma_wait3A_199 = arith.constant 0 : i32
        %dma_wait3A_200 = tpu.memref_slice %arg10[%scan3A_46, %dma_wait3A_198, %dma_wait3A_199] : memref<2x128x128xf32, #tpu.memory_space<vmem>> -> memref<1x128x128xf32, #tpu.memory_space<vmem>>
        %dma_wait3A_201 = tpu.memref_squeeze %dma_wait3A_200 : memref<1x128x128xf32, #tpu.memory_space<vmem>> -> memref<128x128xf32, #tpu.memory_space<vmem>>
        %dma_wait3A_202 = arith.constant 0 : i32
        %dma_wait3A_203 = arith.constant 0 : i32
        %dma_wait3A_204 = tpu.memref_slice %arg9[%scan3A_48, %dma_wait3A_202, %dma_wait3A_203] : memref<2x26x128xi32, #tpu.memory_space<vmem>> -> memref<1x26x128xi32, #tpu.memory_space<vmem>>
        %dma_wait3A_205 = tpu.memref_squeeze %dma_wait3A_204 : memref<1x26x128xi32, #tpu.memory_space<vmem>> -> memref<26x128xi32, #tpu.memory_space<vmem>>
        %dma_wait3A_206 = arith.constant 0 : i32
        %dma_wait3A_207 = tpu.memref_slice %dma_wait3A_205[%add3A_136, %dma_wait3A_206] : memref<26x128xi32, #tpu.memory_space<vmem>> -> memref<1x128xi32, #tpu.memory_space<vmem>>
        %dma_wait3A_208 = tpu.memref_squeeze %dma_wait3A_207 : memref<1x128xi32, #tpu.memory_space<vmem>> -> memref<128xi32, #tpu.memory_space<vmem>>
        %dma_wait3A_209 = arith.constant 0 : i32
        %dma_wait3A_210 = arith.constant 0 : i32
        %dma_wait3A_211 = tpu.memref_slice %arg11[%dma_wait3A_209, %dma_wait3A_210] : memref<10000x128xf32, #tpu.memory_space<vmem_shared>> -> memref<10000x128xf32, #tpu.memory_space<vmem_shared>>
        tpu.wait_indirect_dma semaphore(%run_scoped3A_183 : memref<!tpu.dma_semaphore, #tpu.memory_space<semaphore_mem>>) src(%dma_wait3A_201 : memref<128x128xf32, #tpu.memory_space<vmem>>) dst(%dma_wait3A_211 : memref<10000x128xf32, #tpu.memory_space<vmem_shared>>)
        tpu.yield
      }) : () -> ()
      %scan3A_182 = arith.constant 0 : i32
      scf.yield %scan3A_182 : i32
    }
    %scan3A_55 = arith.constant 13 : i32
    %dma_start3A_56 = arith.constant 1 : i32
    %dma_start3A_57 = arith.constant 0 : i32
    %dma_start3A_58 = arith.constant 0 : i32
    %dma_start3A_59 = arith.constant 0 : i32
    %dma_start3A_60 = tpu.memref_slice %arg10[%dma_start3A_57, %dma_start3A_58, %dma_start3A_59] : memref<2x128x128xf32, #tpu.memory_space<vmem>> -> memref<1x128x128xf32, #tpu.memory_space<vmem>>
    %dma_start3A_61 = tpu.memref_squeeze %dma_start3A_60 : memref<1x128x128xf32, #tpu.memory_space<vmem>> -> memref<128x128xf32, #tpu.memory_space<vmem>>
    %dma_start3A_62 = arith.constant 0 : i32
    %dma_start3A_63 = tpu.memref_slice %arg7[%dma_start3A_56, %dma_start3A_62] : memref<2x3328xi32, #tpu.memory_space<vmem>> -> memref<1x3328xi32, #tpu.memory_space<vmem>>
    %dma_start3A_64 = tpu.memref_squeeze %dma_start3A_63 : memref<1x3328xi32, #tpu.memory_space<vmem>> -> memref<3328xi32, #tpu.memory_space<vmem>>
    %dma_start3A_65 = arith.constant 0 : i32
    %dma_start3A_66 = tpu.memref_slice %dma_start3A_64[%dma_start3A_65] : memref<3328xi32, #tpu.memory_space<vmem>> -> memref<128xi32, #tpu.memory_space<vmem>>
    %dma_start3A_67 = arith.constant 0 : i32
    %dma_start3A_68 = arith.constant 0 : i32
    %dma_start3A_69 = tpu.memref_slice %arg2[%dma_start3A_67, %dma_start3A_68] : memref<10000x128xf32, #tpu.memory_space<hbm>> -> memref<10000x128xf32, #tpu.memory_space<hbm>>
    tpu.enqueue_indirect_dma source(%dma_start3A_69 : memref<10000x128xf32, #tpu.memory_space<hbm>>) target(%dma_start3A_61 : memref<128x128xf32, #tpu.memory_space<vmem>>) offsets(%dma_start3A_66 : memref<128xi32, #tpu.memory_space<vmem>>) semaphore(%arg12 : memref<!tpu.dma_semaphore, #tpu.memory_space<semaphore_mem>>)
    %add3A_70 = arith.constant 52 : i32
    %add3A_71 = arith.addi %mul3A_2, %add3A_70 : i32
    %mul3A_72 = arith.constant 128 : i32
    %mul3A_73 = arith.muli %add3A_71, %mul3A_72 : i32
    %run_scoped3A_74 = arith.constant 0 : i32
    "tpu.region"() ({
      %run_scoped3A_129 = tpu.sem_alloc : memref<!tpu.dma_semaphore, #tpu.memory_space<semaphore_mem>>
      %dma_start3A_130 = arith.constant 0 : i32
      %dma_start3A_131 = tpu.memref_slice %arg7[%run_scoped3A_74, %dma_start3A_130] : memref<2x3328xi32, #tpu.memory_space<vmem>> -> memref<1x3328xi32, #tpu.memory_space<vmem>>
      %dma_start3A_132 = tpu.memref_squeeze %dma_start3A_131 : memref<1x3328xi32, #tpu.memory_space<vmem>> -> memref<3328xi32, #tpu.memory_space<vmem>>
      %dma_start3A_133 = tpu.memref_slice %arg4[%mul3A_73] : memref<320000xi32, #tpu.memory_space<hbm>> -> memref<3328xi32, #tpu.memory_space<hbm>>
      %dma_start3A_134 = arith.constant 0 : i32
      %dma_start3A_135 = tpu.memref_slice %arg7[%run_scoped3A_74, %dma_start3A_134] : memref<2x3328xi32, #tpu.memory_space<vmem>> -> memref<1x3328xi32, #tpu.memory_space<vmem>>
      %dma_start3A_136 = tpu.memref_squeeze %dma_start3A_135 : memref<1x3328xi32, #tpu.memory_space<vmem>> -> memref<3328xi32, #tpu.memory_space<vmem>>
      %dma_start3A_137 = tpu.memref_slice %arg4[%mul3A_73] : memref<320000xi32, #tpu.memory_space<hbm>> -> memref<3328xi32, #tpu.memory_space<hbm>>
      tpu.enqueue_dma source(%dma_start3A_137 : memref<3328xi32, #tpu.memory_space<hbm>>) target(%dma_start3A_136 : memref<3328xi32, #tpu.memory_space<vmem>>) target_semaphore(%run_scoped3A_129 : memref<!tpu.dma_semaphore, #tpu.memory_space<semaphore_mem>>)
      %dma_wait3A = arith.constant 0 : i32
      %dma_wait3A_138 = tpu.memref_slice %arg7[%run_scoped3A_74, %dma_wait3A] : memref<2x3328xi32, #tpu.memory_space<vmem>> -> memref<1x3328xi32, #tpu.memory_space<vmem>>
      %dma_wait3A_139 = tpu.memref_squeeze %dma_wait3A_138 : memref<1x3328xi32, #tpu.memory_space<vmem>> -> memref<3328xi32, #tpu.memory_space<vmem>>
      %dma_wait3A_140 = tpu.memref_slice %arg4[%mul3A_73] : memref<320000xi32, #tpu.memory_space<hbm>> -> memref<3328xi32, #tpu.memory_space<hbm>>
      %dma_wait3A_141 = arith.constant 0 : i32
      %dma_wait3A_142 = tpu.memref_slice %arg7[%run_scoped3A_74, %dma_wait3A_141] : memref<2x3328xi32, #tpu.memory_space<vmem>> -> memref<1x3328xi32, #tpu.memory_space<vmem>>
      %dma_wait3A_143 = tpu.memref_squeeze %dma_wait3A_142 : memref<1x3328xi32, #tpu.memory_space<vmem>> -> memref<3328xi32, #tpu.memory_space<vmem>>
      %dma_wait3A_144 = tpu.memref_slice %arg4[%mul3A_73] : memref<320000xi32, #tpu.memory_space<hbm>> -> memref<3328xi32, #tpu.memory_space<hbm>>
      tpu.wait_dma2 semaphore(%run_scoped3A_129 : memref<!tpu.dma_semaphore, #tpu.memory_space<semaphore_mem>>) src(%dma_wait3A_144 : memref<3328xi32, #tpu.memory_space<hbm>>) dst(%dma_wait3A_143 : memref<3328xi32, #tpu.memory_space<vmem>>)
      tpu.yield
    }) : () -> ()
    "tpu.region"() ({
      %run_scoped3A_129 = tpu.sem_alloc : memref<!tpu.dma_semaphore, #tpu.memory_space<semaphore_mem>>
      %dma_start3A_130 = tpu.memref_slice %arg5[%mul3A_73] : memref<320000xi32, #tpu.memory_space<hbm>> -> memref<3328xi32, #tpu.memory_space<hbm>>
      %dma_start3A_131 = tpu.memref_slice %arg5[%mul3A_73] : memref<320000xi32, #tpu.memory_space<hbm>> -> memref<3328xi32, #tpu.memory_space<hbm>>
      tpu.enqueue_dma source(%dma_start3A_131 : memref<3328xi32, #tpu.memory_space<hbm>>) target(%arg8 : memref<3328xi32, #tpu.memory_space<vmem>>) target_semaphore(%run_scoped3A_129 : memref<!tpu.dma_semaphore, #tpu.memory_space<semaphore_mem>>)
      %dma_wait3A = tpu.memref_slice %arg5[%mul3A_73] : memref<320000xi32, #tpu.memory_space<hbm>> -> memref<3328xi32, #tpu.memory_space<hbm>>
      %dma_wait3A_132 = tpu.memref_slice %arg5[%mul3A_73] : memref<320000xi32, #tpu.memory_space<hbm>> -> memref<3328xi32, #tpu.memory_space<hbm>>
      tpu.wait_dma2 semaphore(%run_scoped3A_129 : memref<!tpu.dma_semaphore, #tpu.memory_space<semaphore_mem>>) src(%dma_wait3A_132 : memref<3328xi32, #tpu.memory_space<hbm>>) dst(%arg8 : memref<3328xi32, #tpu.memory_space<vmem>>)
      tpu.yield
    }) : () -> ()
    %scan3A_75 = arith.constant 0 : i32
    %scan3A_76 = arith.constant 0 : i32
    %scan3A_77 = arith.constant 208 : i32
    %scan3A_78 = arith.addi %scan3A_76, %scan3A_77 : i32
    %scan3A_79 = arith.constant 1 : i32
    %scan3A_80 = scf.for %scan3A_129 = %scan3A_76 to %scan3A_78 step %scan3A_79 iter_args(%scan3A_130 = %scan3A_75) -> (i32)  : i32 {
      %jit3A = arith.constant 8 : i32
      %div3A = arith.divsi %scan3A_129, %jit3A : i32
      %sign3A = arith.constant 0 : i32
      %sign3A_131 = arith.cmpi sgt, %scan3A_129, %sign3A : i32
      %sign3A_132 = arith.extui %sign3A_131 : i1 to i32
      %sign3A_133 = arith.constant 0 : i32
      %sign3A_134 = arith.cmpi slt, %scan3A_129, %sign3A_133 : i32
      %sign3A_135 = arith.extui %sign3A_134 : i1 to i32
      %sign3A_136 = arith.subi %sign3A_132, %sign3A_135 : i32
      %sign3A_137 = arith.constant 0 : i32
      %sign3A_138 = arith.cmpi sgt, %jit3A, %sign3A_137 : i32
      %sign3A_139 = arith.extui %sign3A_138 : i1 to i32
      %sign3A_140 = arith.constant 0 : i32
      %sign3A_141 = arith.cmpi slt, %jit3A, %sign3A_140 : i32
      %sign3A_142 = arith.extui %sign3A_141 : i1 to i32
      %sign3A_143 = arith.subi %sign3A_139, %sign3A_142 : i32
      %ne3A = arith.cmpi ne, %sign3A_136, %sign3A_143 : i32
      %rem3A = arith.remsi %scan3A_129, %jit3A : i32
      %ne3A_144 = arith.constant 0 : i32
      %ne3A_145 = arith.cmpi ne, %rem3A, %ne3A_144 : i32
      %and3A = arith.andi %ne3A, %ne3A_145 : i1
      %sub3A = arith.constant 1 : i32
      %sub3A_146 = arith.subi %div3A, %sub3A : i32
      %select_n3A = arith.select %and3A, %sub3A_146, %div3A : i32
      %jit3A_147 = arith.constant 8 : i32
      %eq3A = arith.constant 0 : i32
      %eq3A_148 = arith.cmpi eq, %jit3A_147, %eq3A : i32
      %jit3A_149 = arith.constant 1 : i32
      %select_n3A_150 = arith.select %eq3A_148, %jit3A_149, %jit3A_147 : i32
      %rem3A_151 = arith.remsi %scan3A_129, %select_n3A_150 : i32
      %ne3A_152 = arith.constant 0 : i32
      %ne3A_153 = arith.cmpi ne, %rem3A_151, %ne3A_152 : i32
      %lt3A_154 = arith.constant 0 : i32
      %lt3A_155 = arith.cmpi slt, %rem3A_151, %lt3A_154 : i32
      %lt3A_156 = arith.constant 0 : i32
      %lt3A_157 = arith.cmpi slt, %select_n3A_150, %lt3A_156 : i32
      %ne3A_158 = arith.xori %lt3A_155, %lt3A_157 : i1
      %and3A_159 = arith.andi %ne3A_158, %ne3A_153 : i1
      %add3A_160 = arith.addi %rem3A_151, %select_n3A_150 : i32
      %select_n3A_161 = arith.select %and3A_159, %add3A_160, %rem3A_151 : i32
      %mul3A_162 = arith.constant 16 : i32
      %mul3A_163 = arith.muli %select_n3A_161, %mul3A_162 : i32
      %mul3A_164 = arith.constant 128 : i32
      %mul3A_165 = arith.muli %select_n3A, %mul3A_164 : i32
      %add3A_166 = arith.addi %mul3A_165, %mul3A_163 : i32
      %get3A = arith.index_cast %add3A_166 : i32 to index
      %get3A_167 = tpu.vector_load %arg8[%get3A] {strides = array<i32>} : memref<3328xi32, #tpu.memory_space<vmem>>, vector<16xi32>,
      %get3A_168 = vector.shape_cast %get3A_167 : vector<16xi32> to vector<16xi32>
      %swap3A = arith.constant 0 : i32
      %swap3A_169 = arith.index_cast %swap3A : i32 to index
      %swap3A_170 = arith.index_cast %select_n3A : i32 to index
      %swap3A_171 = arith.index_cast %mul3A_163 : i32 to index
      %swap3A_172 = tpu.vector_load %arg9[%swap3A_169, %swap3A_170, %swap3A_171] {strides = array<i32>} : memref<2x26x128xi32, #tpu.memory_space<vmem>>, vector<1x1x16xi32>,
      %swap3A_173 = vector.shape_cast %swap3A_172 : vector<1x1x16xi32> to vector<16xi32>
      %swap3A_174 = vector.shape_cast %get3A_168 : vector<16xi32> to vector<1x1x16xi32>
      tpu.vector_store %arg9[%swap3A_169, %swap3A_170, %swap3A_171], %swap3A_174 {strides = array<i32>} : memref<2x26x128xi32, #tpu.memory_space<vmem>>, vector<1x1x16xi32>,
      %scan3A_175 = arith.constant 0 : i32
      scf.yield %scan3A_175 : i32
    }
    %scan3A_81 = arith.constant 208 : i32
    %scan3A_82 = arith.constant 1 : i32
    %scan3A_83 = arith.constant 1 : i32
    %scan3A_84 = arith.constant 0 : i32
    %scan3A_85 = arith.constant 1 : i32
    %scan3A_86 = arith.constant 0 : i32
    %scan3A_87 = arith.constant 0 : i32
    %scan3A_88 = arith.constant 13 : i32
    %scan3A_89 = arith.addi %scan3A_87, %scan3A_88 : i32
    %scan3A_90 = arith.constant 1 : i32
    %scan3A_91 = scf.for %scan3A_129 = %scan3A_87 to %scan3A_89 step %scan3A_90 iter_args(%scan3A_130 = %scan3A_86) -> (i32)  : i32 {
      %mul3A_131 = arith.constant 2 : i32
      %mul3A_132 = arith.muli %mul3A_131, %scan3A_129 : i32
      %mul3A_133 = arith.constant 2 : i32
      %mul3A_134 = arith.muli %mul3A_133, %scan3A_129 : i32
      %add3A_135 = arith.constant 1 : i32
      %add3A_136 = arith.addi %mul3A_134, %add3A_135 : i32
      %mul3A_137 = arith.constant 128 : i32
      %mul3A_138 = arith.muli %add3A_136, %mul3A_137 : i32
      %dma_start3A_139 = arith.constant 0 : i32
      %dma_start3A_140 = arith.constant 0 : i32
      %dma_start3A_141 = tpu.memref_slice %arg10[%scan3A_83, %dma_start3A_139, %dma_start3A_140] : memref<2x128x128xf32, #tpu.memory_space<vmem>> -> memref<1x128x128xf32, #tpu.memory_space<vmem>>
      %dma_start3A_142 = tpu.memref_squeeze %dma_start3A_141 : memref<1x128x128xf32, #tpu.memory_space<vmem>> -> memref<128x128xf32, #tpu.memory_space<vmem>>
      %dma_start3A_143 = arith.constant 0 : i32
      %dma_start3A_144 = tpu.memref_slice %arg7[%scan3A_82, %dma_start3A_143] : memref<2x3328xi32, #tpu.memory_space<vmem>> -> memref<1x3328xi32, #tpu.memory_space<vmem>>
      %dma_start3A_145 = tpu.memref_squeeze %dma_start3A_144 : memref<1x3328xi32, #tpu.memory_space<vmem>> -> memref<3328xi32, #tpu.memory_space<vmem>>
      %dma_start3A_146 = tpu.memref_slice %dma_start3A_145[%mul3A_138] : memref<3328xi32, #tpu.memory_space<vmem>> -> memref<128xi32, #tpu.memory_space<vmem>>
      %dma_start3A_147 = arith.constant 0 : i32
      %dma_start3A_148 = arith.constant 0 : i32
      %dma_start3A_149 = tpu.memref_slice %arg2[%dma_start3A_147, %dma_start3A_148] : memref<10000x128xf32, #tpu.memory_space<hbm>> -> memref<10000x128xf32, #tpu.memory_space<hbm>>
      tpu.enqueue_indirect_dma source(%dma_start3A_149 : memref<10000x128xf32, #tpu.memory_space<hbm>>) target(%dma_start3A_142 : memref<128x128xf32, #tpu.memory_space<vmem>>) offsets(%dma_start3A_146 : memref<128xi32, #tpu.memory_space<vmem>>) semaphore(%arg13 : memref<!tpu.dma_semaphore, #tpu.memory_space<semaphore_mem>>)
      %mul3A_150 = arith.constant 128 : i32
      %mul3A_151 = arith.muli %mul3A_132, %mul3A_150 : i32
      %dma_wait3A = arith.constant 0 : i32
      %dma_wait3A_152 = arith.constant 0 : i32
      %dma_wait3A_153 = tpu.memref_slice %arg10[%scan3A_84, %dma_wait3A, %dma_wait3A_152] : memref<2x128x128xf32, #tpu.memory_space<vmem>> -> memref<1x128x128xf32, #tpu.memory_space<vmem>>
      %dma_wait3A_154 = tpu.memref_squeeze %dma_wait3A_153 : memref<1x128x128xf32, #tpu.memory_space<vmem>> -> memref<128x128xf32, #tpu.memory_space<vmem>>
      %dma_wait3A_155 = arith.constant 0 : i32
      %dma_wait3A_156 = tpu.memref_slice %arg7[%scan3A_82, %dma_wait3A_155] : memref<2x3328xi32, #tpu.memory_space<vmem>> -> memref<1x3328xi32, #tpu.memory_space<vmem>>
      %dma_wait3A_157 = tpu.memref_squeeze %dma_wait3A_156 : memref<1x3328xi32, #tpu.memory_space<vmem>> -> memref<3328xi32, #tpu.memory_space<vmem>>
      %dma_wait3A_158 = tpu.memref_slice %dma_wait3A_157[%mul3A_151] : memref<3328xi32, #tpu.memory_space<vmem>> -> memref<128xi32, #tpu.memory_space<vmem>>
      %dma_wait3A_159 = arith.constant 0 : i32
      %dma_wait3A_160 = arith.constant 0 : i32
      %dma_wait3A_161 = tpu.memref_slice %arg2[%dma_wait3A_159, %dma_wait3A_160] : memref<10000x128xf32, #tpu.memory_space<hbm>> -> memref<10000x128xf32, #tpu.memory_space<hbm>>
      tpu.wait_indirect_dma semaphore(%arg12 : memref<!tpu.dma_semaphore, #tpu.memory_space<semaphore_mem>>) src(%dma_wait3A_161 : memref<10000x128xf32, #tpu.memory_space<hbm>>) dst(%dma_wait3A_154 : memref<128x128xf32, #tpu.memory_space<vmem>>)
      "tpu.region"() ({
        %run_scoped3A_183 = tpu.sem_alloc : memref<!tpu.dma_semaphore, #tpu.memory_space<semaphore_mem>>
        %dma_start3A_184 = arith.constant 0 : i32
        %dma_start3A_185 = arith.constant 0 : i32
        %dma_start3A_186 = tpu.memref_slice %arg10[%scan3A_84, %dma_start3A_184, %dma_start3A_185] : memref<2x128x128xf32, #tpu.memory_space<vmem>> -> memref<1x128x128xf32, #tpu.memory_space<vmem>>
        %dma_start3A_187 = tpu.memref_squeeze %dma_start3A_186 : memref<1x128x128xf32, #tpu.memory_space<vmem>> -> memref<128x128xf32, #tpu.memory_space<vmem>>
        %dma_start3A_188 = arith.constant 0 : i32
        %dma_start3A_189 = arith.constant 0 : i32
        %dma_start3A_190 = tpu.memref_slice %arg9[%scan3A_85, %dma_start3A_188, %dma_start3A_189] : memref<2x26x128xi32, #tpu.memory_space<vmem>> -> memref<1x26x128xi32, #tpu.memory_space<vmem>>
        %dma_start3A_191 = tpu.memref_squeeze %dma_start3A_190 : memref<1x26x128xi32, #tpu.memory_space<vmem>> -> memref<26x128xi32, #tpu.memory_space<vmem>>
        %dma_start3A_192 = arith.constant 0 : i32
        %dma_start3A_193 = tpu.memref_slice %dma_start3A_191[%mul3A_132, %dma_start3A_192] : memref<26x128xi32, #tpu.memory_space<vmem>> -> memref<1x128xi32, #tpu.memory_space<vmem>>
        %dma_start3A_194 = tpu.memref_squeeze %dma_start3A_193 : memref<1x128xi32, #tpu.memory_space<vmem>> -> memref<128xi32, #tpu.memory_space<vmem>>
        %dma_start3A_195 = arith.constant 0 : i32
        %dma_start3A_196 = arith.constant 0 : i32
        %dma_start3A_197 = tpu.memref_slice %arg11[%dma_start3A_195, %dma_start3A_196] : memref<10000x128xf32, #tpu.memory_space<vmem_shared>> -> memref<10000x128xf32, #tpu.memory_space<vmem_shared>>
        tpu.enqueue_indirect_dma source(%dma_start3A_187 : memref<128x128xf32, #tpu.memory_space<vmem>>) target(%dma_start3A_197 : memref<10000x128xf32, #tpu.memory_space<vmem_shared>>) offsets(%dma_start3A_194 : memref<128xi32, #tpu.memory_space<vmem>>) semaphore(%run_scoped3A_183 : memref<!tpu.dma_semaphore, #tpu.memory_space<semaphore_mem>>) {add = true}
        %dma_wait3A_198 = arith.constant 0 : i32
        %dma_wait3A_199 = arith.constant 0 : i32
        %dma_wait3A_200 = tpu.memref_slice %arg10[%scan3A_84, %dma_wait3A_198, %dma_wait3A_199] : memref<2x128x128xf32, #tpu.memory_space<vmem>> -> memref<1x128x128xf32, #tpu.memory_space<vmem>>
        %dma_wait3A_201 = tpu.memref_squeeze %dma_wait3A_200 : memref<1x128x128xf32, #tpu.memory_space<vmem>> -> memref<128x128xf32, #tpu.memory_space<vmem>>
        %dma_wait3A_202 = arith.constant 0 : i32
        %dma_wait3A_203 = arith.constant 0 : i32
        %dma_wait3A_204 = tpu.memref_slice %arg9[%scan3A_85, %dma_wait3A_202, %dma_wait3A_203] : memref<2x26x128xi32, #tpu.memory_space<vmem>> -> memref<1x26x128xi32, #tpu.memory_space<vmem>>
        %dma_wait3A_205 = tpu.memref_squeeze %dma_wait3A_204 : memref<1x26x128xi32, #tpu.memory_space<vmem>> -> memref<26x128xi32, #tpu.memory_space<vmem>>
        %dma_wait3A_206 = arith.constant 0 : i32
        %dma_wait3A_207 = tpu.memref_slice %dma_wait3A_205[%mul3A_132, %dma_wait3A_206] : memref<26x128xi32, #tpu.memory_space<vmem>> -> memref<1x128xi32, #tpu.memory_space<vmem>>
        %dma_wait3A_208 = tpu.memref_squeeze %dma_wait3A_207 : memref<1x128xi32, #tpu.memory_space<vmem>> -> memref<128xi32, #tpu.memory_space<vmem>>
        %dma_wait3A_209 = arith.constant 0 : i32
        %dma_wait3A_210 = arith.constant 0 : i32
        %dma_wait3A_211 = tpu.memref_slice %arg11[%dma_wait3A_209, %dma_wait3A_210] : memref<10000x128xf32, #tpu.memory_space<vmem_shared>> -> memref<10000x128xf32, #tpu.memory_space<vmem_shared>>
        tpu.wait_indirect_dma semaphore(%run_scoped3A_183 : memref<!tpu.dma_semaphore, #tpu.memory_space<semaphore_mem>>) src(%dma_wait3A_201 : memref<128x128xf32, #tpu.memory_space<vmem>>) dst(%dma_wait3A_211 : memref<10000x128xf32, #tpu.memory_space<vmem_shared>>)
        tpu.yield
      }) : () -> ()
      %add3A_162 = arith.constant 1 : i32
      %add3A_163 = arith.addi %add3A_136, %add3A_162 : i32
      %lt3A_164 = arith.constant 26 : i32
      %lt3A_165 = arith.cmpi slt, %add3A_163, %lt3A_164 : i32
      %convert_element_type3A_166 = arith.extui %lt3A_165 : i1 to i32
      %cond3A_167 = arith.constant 0 : i32
      %cond3A_168 = arith.cmpi ne, %convert_element_type3A_166, %cond3A_167 : i32
      scf.if %cond3A_168 {
        %add3A_183 = arith.constant 1 : i32
        %add3A_184 = arith.addi %add3A_136, %add3A_183 : i32
        %min3A = arith.constant 25 : i32
        %min3A_185 = arith.minsi %add3A_184, %min3A : i32
        %mul3A_186 = arith.constant 128 : i32
        %mul3A_187 = arith.muli %min3A_185, %mul3A_186 : i32
        %dma_start3A_188 = arith.constant 0 : i32
        %dma_start3A_189 = arith.constant 0 : i32
        %dma_start3A_190 = tpu.memref_slice %arg10[%scan3A_84, %dma_start3A_188, %dma_start3A_189] : memref<2x128x128xf32, #tpu.memory_space<vmem>> -> memref<1x128x128xf32, #tpu.memory_space<vmem>>
        %dma_start3A_191 = tpu.memref_squeeze %dma_start3A_190 : memref<1x128x128xf32, #tpu.memory_space<vmem>> -> memref<128x128xf32, #tpu.memory_space<vmem>>
        %dma_start3A_192 = arith.constant 0 : i32
        %dma_start3A_193 = tpu.memref_slice %arg7[%scan3A_82, %dma_start3A_192] : memref<2x3328xi32, #tpu.memory_space<vmem>> -> memref<1x3328xi32, #tpu.memory_space<vmem>>
        %dma_start3A_194 = tpu.memref_squeeze %dma_start3A_193 : memref<1x3328xi32, #tpu.memory_space<vmem>> -> memref<3328xi32, #tpu.memory_space<vmem>>
        %dma_start3A_195 = tpu.memref_slice %dma_start3A_194[%mul3A_187] : memref<3328xi32, #tpu.memory_space<vmem>> -> memref<128xi32, #tpu.memory_space<vmem>>
        %dma_start3A_196 = arith.constant 0 : i32
        %dma_start3A_197 = arith.constant 0 : i32
        %dma_start3A_198 = tpu.memref_slice %arg2[%dma_start3A_196, %dma_start3A_197] : memref<10000x128xf32, #tpu.memory_space<hbm>> -> memref<10000x128xf32, #tpu.memory_space<hbm>>
        tpu.enqueue_indirect_dma source(%dma_start3A_198 : memref<10000x128xf32, #tpu.memory_space<hbm>>) target(%dma_start3A_191 : memref<128x128xf32, #tpu.memory_space<vmem>>) offsets(%dma_start3A_195 : memref<128xi32, #tpu.memory_space<vmem>>) semaphore(%arg12 : memref<!tpu.dma_semaphore, #tpu.memory_space<semaphore_mem>>)
      } else {
      }
      %mul3A_169 = arith.constant 128 : i32
      %mul3A_170 = arith.muli %add3A_136, %mul3A_169 : i32
      %dma_wait3A_171 = arith.constant 0 : i32
      %dma_wait3A_172 = arith.constant 0 : i32
      %dma_wait3A_173 = tpu.memref_slice %arg10[%scan3A_83, %dma_wait3A_171, %dma_wait3A_172] : memref<2x128x128xf32, #tpu.memory_space<vmem>> -> memref<1x128x128xf32, #tpu.memory_space<vmem>>
      %dma_wait3A_174 = tpu.memref_squeeze %dma_wait3A_173 : memref<1x128x128xf32, #tpu.memory_space<vmem>> -> memref<128x128xf32, #tpu.memory_space<vmem>>
      %dma_wait3A_175 = arith.constant 0 : i32
      %dma_wait3A_176 = tpu.memref_slice %arg7[%scan3A_82, %dma_wait3A_175] : memref<2x3328xi32, #tpu.memory_space<vmem>> -> memref<1x3328xi32, #tpu.memory_space<vmem>>
      %dma_wait3A_177 = tpu.memref_squeeze %dma_wait3A_176 : memref<1x3328xi32, #tpu.memory_space<vmem>> -> memref<3328xi32, #tpu.memory_space<vmem>>
      %dma_wait3A_178 = tpu.memref_slice %dma_wait3A_177[%mul3A_170] : memref<3328xi32, #tpu.memory_space<vmem>> -> memref<128xi32, #tpu.memory_space<vmem>>
      %dma_wait3A_179 = arith.constant 0 : i32
      %dma_wait3A_180 = arith.constant 0 : i32
      %dma_wait3A_181 = tpu.memref_slice %arg2[%dma_wait3A_179, %dma_wait3A_180] : memref<10000x128xf32, #tpu.memory_space<hbm>> -> memref<10000x128xf32, #tpu.memory_space<hbm>>
      tpu.wait_indirect_dma semaphore(%arg13 : memref<!tpu.dma_semaphore, #tpu.memory_space<semaphore_mem>>) src(%dma_wait3A_181 : memref<10000x128xf32, #tpu.memory_space<hbm>>) dst(%dma_wait3A_174 : memref<128x128xf32, #tpu.memory_space<vmem>>)
      "tpu.region"() ({
        %run_scoped3A_183 = tpu.sem_alloc : memref<!tpu.dma_semaphore, #tpu.memory_space<semaphore_mem>>
        %dma_start3A_184 = arith.constant 0 : i32
        %dma_start3A_185 = arith.constant 0 : i32
        %dma_start3A_186 = tpu.memref_slice %arg10[%scan3A_83, %dma_start3A_184, %dma_start3A_185] : memref<2x128x128xf32, #tpu.memory_space<vmem>> -> memref<1x128x128xf32, #tpu.memory_space<vmem>>
        %dma_start3A_187 = tpu.memref_squeeze %dma_start3A_186 : memref<1x128x128xf32, #tpu.memory_space<vmem>> -> memref<128x128xf32, #tpu.memory_space<vmem>>
        %dma_start3A_188 = arith.constant 0 : i32
        %dma_start3A_189 = arith.constant 0 : i32
        %dma_start3A_190 = tpu.memref_slice %arg9[%scan3A_85, %dma_start3A_188, %dma_start3A_189] : memref<2x26x128xi32, #tpu.memory_space<vmem>> -> memref<1x26x128xi32, #tpu.memory_space<vmem>>
        %dma_start3A_191 = tpu.memref_squeeze %dma_start3A_190 : memref<1x26x128xi32, #tpu.memory_space<vmem>> -> memref<26x128xi32, #tpu.memory_space<vmem>>
        %dma_start3A_192 = arith.constant 0 : i32
        %dma_start3A_193 = tpu.memref_slice %dma_start3A_191[%add3A_136, %dma_start3A_192] : memref<26x128xi32, #tpu.memory_space<vmem>> -> memref<1x128xi32, #tpu.memory_space<vmem>>
        %dma_start3A_194 = tpu.memref_squeeze %dma_start3A_193 : memref<1x128xi32, #tpu.memory_space<vmem>> -> memref<128xi32, #tpu.memory_space<vmem>>
        %dma_start3A_195 = arith.constant 0 : i32
        %dma_start3A_196 = arith.constant 0 : i32
        %dma_start3A_197 = tpu.memref_slice %arg11[%dma_start3A_195, %dma_start3A_196] : memref<10000x128xf32, #tpu.memory_space<vmem_shared>> -> memref<10000x128xf32, #tpu.memory_space<vmem_shared>>
        tpu.enqueue_indirect_dma source(%dma_start3A_187 : memref<128x128xf32, #tpu.memory_space<vmem>>) target(%dma_start3A_197 : memref<10000x128xf32, #tpu.memory_space<vmem_shared>>) offsets(%dma_start3A_194 : memref<128xi32, #tpu.memory_space<vmem>>) semaphore(%run_scoped3A_183 : memref<!tpu.dma_semaphore, #tpu.memory_space<semaphore_mem>>) {add = true}
        %dma_wait3A_198 = arith.constant 0 : i32
        %dma_wait3A_199 = arith.constant 0 : i32
        %dma_wait3A_200 = tpu.memref_slice %arg10[%scan3A_83, %dma_wait3A_198, %dma_wait3A_199] : memref<2x128x128xf32, #tpu.memory_space<vmem>> -> memref<1x128x128xf32, #tpu.memory_space<vmem>>
        %dma_wait3A_201 = tpu.memref_squeeze %dma_wait3A_200 : memref<1x128x128xf32, #tpu.memory_space<vmem>> -> memref<128x128xf32, #tpu.memory_space<vmem>>
        %dma_wait3A_202 = arith.constant 0 : i32
        %dma_wait3A_203 = arith.constant 0 : i32
        %dma_wait3A_204 = tpu.memref_slice %arg9[%scan3A_85, %dma_wait3A_202, %dma_wait3A_203] : memref<2x26x128xi32, #tpu.memory_space<vmem>> -> memref<1x26x128xi32, #tpu.memory_space<vmem>>
        %dma_wait3A_205 = tpu.memref_squeeze %dma_wait3A_204 : memref<1x26x128xi32, #tpu.memory_space<vmem>> -> memref<26x128xi32, #tpu.memory_space<vmem>>
        %dma_wait3A_206 = arith.constant 0 : i32
        %dma_wait3A_207 = tpu.memref_slice %dma_wait3A_205[%add3A_136, %dma_wait3A_206] : memref<26x128xi32, #tpu.memory_space<vmem>> -> memref<1x128xi32, #tpu.memory_space<vmem>>
        %dma_wait3A_208 = tpu.memref_squeeze %dma_wait3A_207 : memref<1x128xi32, #tpu.memory_space<vmem>> -> memref<128xi32, #tpu.memory_space<vmem>>
        %dma_wait3A_209 = arith.constant 0 : i32
        %dma_wait3A_210 = arith.constant 0 : i32
        %dma_wait3A_211 = tpu.memref_slice %arg11[%dma_wait3A_209, %dma_wait3A_210] : memref<10000x128xf32, #tpu.memory_space<vmem_shared>> -> memref<10000x128xf32, #tpu.memory_space<vmem_shared>>
        tpu.wait_indirect_dma semaphore(%run_scoped3A_183 : memref<!tpu.dma_semaphore, #tpu.memory_space<semaphore_mem>>) src(%dma_wait3A_201 : memref<128x128xf32, #tpu.memory_space<vmem>>) dst(%dma_wait3A_211 : memref<10000x128xf32, #tpu.memory_space<vmem_shared>>)
        tpu.yield
      }) : () -> ()
      %scan3A_182 = arith.constant 0 : i32
      scf.yield %scan3A_182 : i32
    }
    %scan3A_92 = arith.constant 13 : i32
    %dma_start3A_93 = arith.constant 0 : i32
    %dma_start3A_94 = arith.constant 0 : i32
    %dma_start3A_95 = arith.constant 0 : i32
    %dma_start3A_96 = arith.constant 0 : i32
    %dma_start3A_97 = tpu.memref_slice %arg10[%dma_start3A_94, %dma_start3A_95, %dma_start3A_96] : memref<2x128x128xf32, #tpu.memory_space<vmem>> -> memref<1x128x128xf32, #tpu.memory_space<vmem>>
    %dma_start3A_98 = tpu.memref_squeeze %dma_start3A_97 : memref<1x128x128xf32, #tpu.memory_space<vmem>> -> memref<128x128xf32, #tpu.memory_space<vmem>>
    %dma_start3A_99 = arith.constant 0 : i32
    %dma_start3A_100 = tpu.memref_slice %arg7[%dma_start3A_93, %dma_start3A_99] : memref<2x3328xi32, #tpu.memory_space<vmem>> -> memref<1x3328xi32, #tpu.memory_space<vmem>>
    %dma_start3A_101 = tpu.memref_squeeze %dma_start3A_100 : memref<1x3328xi32, #tpu.memory_space<vmem>> -> memref<3328xi32, #tpu.memory_space<vmem>>
    %dma_start3A_102 = arith.constant 0 : i32
    %dma_start3A_103 = tpu.memref_slice %dma_start3A_101[%dma_start3A_102] : memref<3328xi32, #tpu.memory_space<vmem>> -> memref<128xi32, #tpu.memory_space<vmem>>
    %dma_start3A_104 = arith.constant 0 : i32
    %dma_start3A_105 = arith.constant 0 : i32
    %dma_start3A_106 = tpu.memref_slice %arg2[%dma_start3A_104, %dma_start3A_105] : memref<10000x128xf32, #tpu.memory_space<hbm>> -> memref<10000x128xf32, #tpu.memory_space<hbm>>
    tpu.enqueue_indirect_dma source(%dma_start3A_106 : memref<10000x128xf32, #tpu.memory_space<hbm>>) target(%dma_start3A_98 : memref<128x128xf32, #tpu.memory_space<vmem>>) offsets(%dma_start3A_103 : memref<128xi32, #tpu.memory_space<vmem>>) semaphore(%arg12 : memref<!tpu.dma_semaphore, #tpu.memory_space<semaphore_mem>>)
    %scan3A_107 = arith.constant 0 : i32
    %scan3A_108 = arith.constant 1 : i32
    %scan3A_109 = arith.constant 0 : i32
    %scan3A_110 = arith.constant 0 : i32
    %scan3A_111 = arith.constant 0 : i32
    %scan3A_112 = arith.constant 0 : i32
    %scan3A_113 = arith.constant 13 : i32
    %scan3A_114 = arith.addi %scan3A_112, %scan3A_113 : i32
    %scan3A_115 = arith.constant 1 : i32
    %scan3A_116 = scf.for %scan3A_129 = %scan3A_112 to %scan3A_114 step %scan3A_115 iter_args(%scan3A_130 = %scan3A_111) -> (i32)  : i32 {
      %mul3A_131 = arith.constant 2 : i32
      %mul3A_132 = arith.muli %mul3A_131, %scan3A_129 : i32
      %mul3A_133 = arith.constant 2 : i32
      %mul3A_134 = arith.muli %mul3A_133, %scan3A_129 : i32
      %add3A_135 = arith.constant 1 : i32
      %add3A_136 = arith.addi %mul3A_134, %add3A_135 : i32
      %mul3A_137 = arith.constant 128 : i32
      %mul3A_138 = arith.muli %add3A_136, %mul3A_137 : i32
      %dma_start3A_139 = arith.constant 0 : i32
      %dma_start3A_140 = arith.constant 0 : i32
      %dma_start3A_141 = tpu.memref_slice %arg10[%scan3A_108, %dma_start3A_139, %dma_start3A_140] : memref<2x128x128xf32, #tpu.memory_space<vmem>> -> memref<1x128x128xf32, #tpu.memory_space<vmem>>
      %dma_start3A_142 = tpu.memref_squeeze %dma_start3A_141 : memref<1x128x128xf32, #tpu.memory_space<vmem>> -> memref<128x128xf32, #tpu.memory_space<vmem>>
      %dma_start3A_143 = arith.constant 0 : i32
      %dma_start3A_144 = tpu.memref_slice %arg7[%scan3A_107, %dma_start3A_143] : memref<2x3328xi32, #tpu.memory_space<vmem>> -> memref<1x3328xi32, #tpu.memory_space<vmem>>
      %dma_start3A_145 = tpu.memref_squeeze %dma_start3A_144 : memref<1x3328xi32, #tpu.memory_space<vmem>> -> memref<3328xi32, #tpu.memory_space<vmem>>
      %dma_start3A_146 = tpu.memref_slice %dma_start3A_145[%mul3A_138] : memref<3328xi32, #tpu.memory_space<vmem>> -> memref<128xi32, #tpu.memory_space<vmem>>
      %dma_start3A_147 = arith.constant 0 : i32
      %dma_start3A_148 = arith.constant 0 : i32
      %dma_start3A_149 = tpu.memref_slice %arg2[%dma_start3A_147, %dma_start3A_148] : memref<10000x128xf32, #tpu.memory_space<hbm>> -> memref<10000x128xf32, #tpu.memory_space<hbm>>
      tpu.enqueue_indirect_dma source(%dma_start3A_149 : memref<10000x128xf32, #tpu.memory_space<hbm>>) target(%dma_start3A_142 : memref<128x128xf32, #tpu.memory_space<vmem>>) offsets(%dma_start3A_146 : memref<128xi32, #tpu.memory_space<vmem>>) semaphore(%arg13 : memref<!tpu.dma_semaphore, #tpu.memory_space<semaphore_mem>>)
      %mul3A_150 = arith.constant 128 : i32
      %mul3A_151 = arith.muli %mul3A_132, %mul3A_150 : i32
      %dma_wait3A = arith.constant 0 : i32
      %dma_wait3A_152 = arith.constant 0 : i32
      %dma_wait3A_153 = tpu.memref_slice %arg10[%scan3A_109, %dma_wait3A, %dma_wait3A_152] : memref<2x128x128xf32, #tpu.memory_space<vmem>> -> memref<1x128x128xf32, #tpu.memory_space<vmem>>
      %dma_wait3A_154 = tpu.memref_squeeze %dma_wait3A_153 : memref<1x128x128xf32, #tpu.memory_space<vmem>> -> memref<128x128xf32, #tpu.memory_space<vmem>>
      %dma_wait3A_155 = arith.constant 0 : i32
      %dma_wait3A_156 = tpu.memref_slice %arg7[%scan3A_107, %dma_wait3A_155] : memref<2x3328xi32, #tpu.memory_space<vmem>> -> memref<1x3328xi32, #tpu.memory_space<vmem>>
      %dma_wait3A_157 = tpu.memref_squeeze %dma_wait3A_156 : memref<1x3328xi32, #tpu.memory_space<vmem>> -> memref<3328xi32, #tpu.memory_space<vmem>>
      %dma_wait3A_158 = tpu.memref_slice %dma_wait3A_157[%mul3A_151] : memref<3328xi32, #tpu.memory_space<vmem>> -> memref<128xi32, #tpu.memory_space<vmem>>
      %dma_wait3A_159 = arith.constant 0 : i32
      %dma_wait3A_160 = arith.constant 0 : i32
      %dma_wait3A_161 = tpu.memref_slice %arg2[%dma_wait3A_159, %dma_wait3A_160] : memref<10000x128xf32, #tpu.memory_space<hbm>> -> memref<10000x128xf32, #tpu.memory_space<hbm>>
      tpu.wait_indirect_dma semaphore(%arg12 : memref<!tpu.dma_semaphore, #tpu.memory_space<semaphore_mem>>) src(%dma_wait3A_161 : memref<10000x128xf32, #tpu.memory_space<hbm>>) dst(%dma_wait3A_154 : memref<128x128xf32, #tpu.memory_space<vmem>>)
      "tpu.region"() ({
        %run_scoped3A_183 = tpu.sem_alloc : memref<!tpu.dma_semaphore, #tpu.memory_space<semaphore_mem>>
        %dma_start3A_184 = arith.constant 0 : i32
        %dma_start3A_185 = arith.constant 0 : i32
        %dma_start3A_186 = tpu.memref_slice %arg10[%scan3A_109, %dma_start3A_184, %dma_start3A_185] : memref<2x128x128xf32, #tpu.memory_space<vmem>> -> memref<1x128x128xf32, #tpu.memory_space<vmem>>
        %dma_start3A_187 = tpu.memref_squeeze %dma_start3A_186 : memref<1x128x128xf32, #tpu.memory_space<vmem>> -> memref<128x128xf32, #tpu.memory_space<vmem>>
        %dma_start3A_188 = arith.constant 0 : i32
        %dma_start3A_189 = arith.constant 0 : i32
        %dma_start3A_190 = tpu.memref_slice %arg9[%scan3A_110, %dma_start3A_188, %dma_start3A_189] : memref<2x26x128xi32, #tpu.memory_space<vmem>> -> memref<1x26x128xi32, #tpu.memory_space<vmem>>
        %dma_start3A_191 = tpu.memref_squeeze %dma_start3A_190 : memref<1x26x128xi32, #tpu.memory_space<vmem>> -> memref<26x128xi32, #tpu.memory_space<vmem>>
        %dma_start3A_192 = arith.constant 0 : i32
        %dma_start3A_193 = tpu.memref_slice %dma_start3A_191[%mul3A_132, %dma_start3A_192] : memref<26x128xi32, #tpu.memory_space<vmem>> -> memref<1x128xi32, #tpu.memory_space<vmem>>
        %dma_start3A_194 = tpu.memref_squeeze %dma_start3A_193 : memref<1x128xi32, #tpu.memory_space<vmem>> -> memref<128xi32, #tpu.memory_space<vmem>>
        %dma_start3A_195 = arith.constant 0 : i32
        %dma_start3A_196 = arith.constant 0 : i32
        %dma_start3A_197 = tpu.memref_slice %arg11[%dma_start3A_195, %dma_start3A_196] : memref<10000x128xf32, #tpu.memory_space<vmem_shared>> -> memref<10000x128xf32, #tpu.memory_space<vmem_shared>>
        tpu.enqueue_indirect_dma source(%dma_start3A_187 : memref<128x128xf32, #tpu.memory_space<vmem>>) target(%dma_start3A_197 : memref<10000x128xf32, #tpu.memory_space<vmem_shared>>) offsets(%dma_start3A_194 : memref<128xi32, #tpu.memory_space<vmem>>) semaphore(%run_scoped3A_183 : memref<!tpu.dma_semaphore, #tpu.memory_space<semaphore_mem>>) {add = true}
        %dma_wait3A_198 = arith.constant 0 : i32
        %dma_wait3A_199 = arith.constant 0 : i32
        %dma_wait3A_200 = tpu.memref_slice %arg10[%scan3A_109, %dma_wait3A_198, %dma_wait3A_199] : memref<2x128x128xf32, #tpu.memory_space<vmem>> -> memref<1x128x128xf32, #tpu.memory_space<vmem>>
        %dma_wait3A_201 = tpu.memref_squeeze %dma_wait3A_200 : memref<1x128x128xf32, #tpu.memory_space<vmem>> -> memref<128x128xf32, #tpu.memory_space<vmem>>
        %dma_wait3A_202 = arith.constant 0 : i32
        %dma_wait3A_203 = arith.constant 0 : i32
        %dma_wait3A_204 = tpu.memref_slice %arg9[%scan3A_110, %dma_wait3A_202, %dma_wait3A_203] : memref<2x26x128xi32, #tpu.memory_space<vmem>> -> memref<1x26x128xi32, #tpu.memory_space<vmem>>
        %dma_wait3A_205 = tpu.memref_squeeze %dma_wait3A_204 : memref<1x26x128xi32, #tpu.memory_space<vmem>> -> memref<26x128xi32, #tpu.memory_space<vmem>>
        %dma_wait3A_206 = arith.constant 0 : i32
        %dma_wait3A_207 = tpu.memref_slice %dma_wait3A_205[%mul3A_132, %dma_wait3A_206] : memref<26x128xi32, #tpu.memory_space<vmem>> -> memref<1x128xi32, #tpu.memory_space<vmem>>
        %dma_wait3A_208 = tpu.memref_squeeze %dma_wait3A_207 : memref<1x128xi32, #tpu.memory_space<vmem>> -> memref<128xi32, #tpu.memory_space<vmem>>
        %dma_wait3A_209 = arith.constant 0 : i32
        %dma_wait3A_210 = arith.constant 0 : i32
        %dma_wait3A_211 = tpu.memref_slice %arg11[%dma_wait3A_209, %dma_wait3A_210] : memref<10000x128xf32, #tpu.memory_space<vmem_shared>> -> memref<10000x128xf32, #tpu.memory_space<vmem_shared>>
        tpu.wait_indirect_dma semaphore(%run_scoped3A_183 : memref<!tpu.dma_semaphore, #tpu.memory_space<semaphore_mem>>) src(%dma_wait3A_201 : memref<128x128xf32, #tpu.memory_space<vmem>>) dst(%dma_wait3A_211 : memref<10000x128xf32, #tpu.memory_space<vmem_shared>>)
        tpu.yield
      }) : () -> ()
      %add3A_162 = arith.constant 1 : i32
      %add3A_163 = arith.addi %add3A_136, %add3A_162 : i32
      %lt3A_164 = arith.constant 26 : i32
      %lt3A_165 = arith.cmpi slt, %add3A_163, %lt3A_164 : i32
      %convert_element_type3A_166 = arith.extui %lt3A_165 : i1 to i32
      %cond3A_167 = arith.constant 0 : i32
      %cond3A_168 = arith.cmpi ne, %convert_element_type3A_166, %cond3A_167 : i32
      scf.if %cond3A_168 {
        %add3A_183 = arith.constant 1 : i32
        %add3A_184 = arith.addi %add3A_136, %add3A_183 : i32
        %min3A = arith.constant 25 : i32
        %min3A_185 = arith.minsi %add3A_184, %min3A : i32
        %mul3A_186 = arith.constant 128 : i32
        %mul3A_187 = arith.muli %min3A_185, %mul3A_186 : i32
        %dma_start3A_188 = arith.constant 0 : i32
        %dma_start3A_189 = arith.constant 0 : i32
        %dma_start3A_190 = tpu.memref_slice %arg10[%scan3A_109, %dma_start3A_188, %dma_start3A_189] : memref<2x128x128xf32, #tpu.memory_space<vmem>> -> memref<1x128x128xf32, #tpu.memory_space<vmem>>
        %dma_start3A_191 = tpu.memref_squeeze %dma_start3A_190 : memref<1x128x128xf32, #tpu.memory_space<vmem>> -> memref<128x128xf32, #tpu.memory_space<vmem>>
        %dma_start3A_192 = arith.constant 0 : i32
        %dma_start3A_193 = tpu.memref_slice %arg7[%scan3A_107, %dma_start3A_192] : memref<2x3328xi32, #tpu.memory_space<vmem>> -> memref<1x3328xi32, #tpu.memory_space<vmem>>
        %dma_start3A_194 = tpu.memref_squeeze %dma_start3A_193 : memref<1x3328xi32, #tpu.memory_space<vmem>> -> memref<3328xi32, #tpu.memory_space<vmem>>
        %dma_start3A_195 = tpu.memref_slice %dma_start3A_194[%mul3A_187] : memref<3328xi32, #tpu.memory_space<vmem>> -> memref<128xi32, #tpu.memory_space<vmem>>
        %dma_start3A_196 = arith.constant 0 : i32
        %dma_start3A_197 = arith.constant 0 : i32
        %dma_start3A_198 = tpu.memref_slice %arg2[%dma_start3A_196, %dma_start3A_197] : memref<10000x128xf32, #tpu.memory_space<hbm>> -> memref<10000x128xf32, #tpu.memory_space<hbm>>
        tpu.enqueue_indirect_dma source(%dma_start3A_198 : memref<10000x128xf32, #tpu.memory_space<hbm>>) target(%dma_start3A_191 : memref<128x128xf32, #tpu.memory_space<vmem>>) offsets(%dma_start3A_195 : memref<128xi32, #tpu.memory_space<vmem>>) semaphore(%arg12 : memref<!tpu.dma_semaphore, #tpu.memory_space<semaphore_mem>>)
      } else {
      }
      %mul3A_169 = arith.constant 128 : i32
      %mul3A_170 = arith.muli %add3A_136, %mul3A_169 : i32
      %dma_wait3A_171 = arith.constant 0 : i32
      %dma_wait3A_172 = arith.constant 0 : i32
      %dma_wait3A_173 = tpu.memref_slice %arg10[%scan3A_108, %dma_wait3A_171, %dma_wait3A_172] : memref<2x128x128xf32, #tpu.memory_space<vmem>> -> memref<1x128x128xf32, #tpu.memory_space<vmem>>
      %dma_wait3A_174 = tpu.memref_squeeze %dma_wait3A_173 : memref<1x128x128xf32, #tpu.memory_space<vmem>> -> memref<128x128xf32, #tpu.memory_space<vmem>>
      %dma_wait3A_175 = arith.constant 0 : i32
      %dma_wait3A_176 = tpu.memref_slice %arg7[%scan3A_107, %dma_wait3A_175] : memref<2x3328xi32, #tpu.memory_space<vmem>> -> memref<1x3328xi32, #tpu.memory_space<vmem>>
      %dma_wait3A_177 = tpu.memref_squeeze %dma_wait3A_176 : memref<1x3328xi32, #tpu.memory_space<vmem>> -> memref<3328xi32, #tpu.memory_space<vmem>>
      %dma_wait3A_178 = tpu.memref_slice %dma_wait3A_177[%mul3A_170] : memref<3328xi32, #tpu.memory_space<vmem>> -> memref<128xi32, #tpu.memory_space<vmem>>
      %dma_wait3A_179 = arith.constant 0 : i32
      %dma_wait3A_180 = arith.constant 0 : i32
      %dma_wait3A_181 = tpu.memref_slice %arg2[%dma_wait3A_179, %dma_wait3A_180] : memref<10000x128xf32, #tpu.memory_space<hbm>> -> memref<10000x128xf32, #tpu.memory_space<hbm>>
      tpu.wait_indirect_dma semaphore(%arg13 : memref<!tpu.dma_semaphore, #tpu.memory_space<semaphore_mem>>) src(%dma_wait3A_181 : memref<10000x128xf32, #tpu.memory_space<hbm>>) dst(%dma_wait3A_174 : memref<128x128xf32, #tpu.memory_space<vmem>>)
      "tpu.region"() ({
        %run_scoped3A_183 = tpu.sem_alloc : memref<!tpu.dma_semaphore, #tpu.memory_space<semaphore_mem>>
        %dma_start3A_184 = arith.constant 0 : i32
        %dma_start3A_185 = arith.constant 0 : i32
        %dma_start3A_186 = tpu.memref_slice %arg10[%scan3A_108, %dma_start3A_184, %dma_start3A_185] : memref<2x128x128xf32, #tpu.memory_space<vmem>> -> memref<1x128x128xf32, #tpu.memory_space<vmem>>
        %dma_start3A_187 = tpu.memref_squeeze %dma_start3A_186 : memref<1x128x128xf32, #tpu.memory_space<vmem>> -> memref<128x128xf32, #tpu.memory_space<vmem>>
        %dma_start3A_188 = arith.constant 0 : i32
        %dma_start3A_189 = arith.constant 0 : i32
        %dma_start3A_190 = tpu.memref_slice %arg9[%scan3A_110, %dma_start3A_188, %dma_start3A_189] : memref<2x26x128xi32, #tpu.memory_space<vmem>> -> memref<1x26x128xi32, #tpu.memory_space<vmem>>
        %dma_start3A_191 = tpu.memref_squeeze %dma_start3A_190 : memref<1x26x128xi32, #tpu.memory_space<vmem>> -> memref<26x128xi32, #tpu.memory_space<vmem>>
        %dma_start3A_192 = arith.constant 0 : i32
        %dma_start3A_193 = tpu.memref_slice %dma_start3A_191[%add3A_136, %dma_start3A_192] : memref<26x128xi32, #tpu.memory_space<vmem>> -> memref<1x128xi32, #tpu.memory_space<vmem>>
        %dma_start3A_194 = tpu.memref_squeeze %dma_start3A_193 : memref<1x128xi32, #tpu.memory_space<vmem>> -> memref<128xi32, #tpu.memory_space<vmem>>
        %dma_start3A_195 = arith.constant 0 : i32
        %dma_start3A_196 = arith.constant 0 : i32
        %dma_start3A_197 = tpu.memref_slice %arg11[%dma_start3A_195, %dma_start3A_196] : memref<10000x128xf32, #tpu.memory_space<vmem_shared>> -> memref<10000x128xf32, #tpu.memory_space<vmem_shared>>
        tpu.enqueue_indirect_dma source(%dma_start3A_187 : memref<128x128xf32, #tpu.memory_space<vmem>>) target(%dma_start3A_197 : memref<10000x128xf32, #tpu.memory_space<vmem_shared>>) offsets(%dma_start3A_194 : memref<128xi32, #tpu.memory_space<vmem>>) semaphore(%run_scoped3A_183 : memref<!tpu.dma_semaphore, #tpu.memory_space<semaphore_mem>>) {add = true}
        %dma_wait3A_198 = arith.constant 0 : i32
        %dma_wait3A_199 = arith.constant 0 : i32
        %dma_wait3A_200 = tpu.memref_slice %arg10[%scan3A_108, %dma_wait3A_198, %dma_wait3A_199] : memref<2x128x128xf32, #tpu.memory_space<vmem>> -> memref<1x128x128xf32, #tpu.memory_space<vmem>>
        %dma_wait3A_201 = tpu.memref_squeeze %dma_wait3A_200 : memref<1x128x128xf32, #tpu.memory_space<vmem>> -> memref<128x128xf32, #tpu.memory_space<vmem>>
        %dma_wait3A_202 = arith.constant 0 : i32
        %dma_wait3A_203 = arith.constant 0 : i32
        %dma_wait3A_204 = tpu.memref_slice %arg9[%scan3A_110, %dma_wait3A_202, %dma_wait3A_203] : memref<2x26x128xi32, #tpu.memory_space<vmem>> -> memref<1x26x128xi32, #tpu.memory_space<vmem>>
        %dma_wait3A_205 = tpu.memref_squeeze %dma_wait3A_204 : memref<1x26x128xi32, #tpu.memory_space<vmem>> -> memref<26x128xi32, #tpu.memory_space<vmem>>
        %dma_wait3A_206 = arith.constant 0 : i32
        %dma_wait3A_207 = tpu.memref_slice %dma_wait3A_205[%add3A_136, %dma_wait3A_206] : memref<26x128xi32, #tpu.memory_space<vmem>> -> memref<1x128xi32, #tpu.memory_space<vmem>>
        %dma_wait3A_208 = tpu.memref_squeeze %dma_wait3A_207 : memref<1x128xi32, #tpu.memory_space<vmem>> -> memref<128xi32, #tpu.memory_space<vmem>>
        %dma_wait3A_209 = arith.constant 0 : i32
        %dma_wait3A_210 = arith.constant 0 : i32
        %dma_wait3A_211 = tpu.memref_slice %arg11[%dma_wait3A_209, %dma_wait3A_210] : memref<10000x128xf32, #tpu.memory_space<vmem_shared>> -> memref<10000x128xf32, #tpu.memory_space<vmem_shared>>
        tpu.wait_indirect_dma semaphore(%run_scoped3A_183 : memref<!tpu.dma_semaphore, #tpu.memory_space<semaphore_mem>>) src(%dma_wait3A_201 : memref<128x128xf32, #tpu.memory_space<vmem>>) dst(%dma_wait3A_211 : memref<10000x128xf32, #tpu.memory_space<vmem_shared>>)
        tpu.yield
      }) : () -> ()
      %scan3A_182 = arith.constant 0 : i32
      scf.yield %scan3A_182 : i32
    }
    %scan3A_117 = arith.constant 13 : i32
    %lt3A = arith.constant 4 : i32
    %lt3A_118 = arith.cmpi slt, %add3A, %lt3A : i32
    %convert_element_type3A = arith.extui %lt3A_118 : i1 to i32
    %cond3A = arith.constant 0 : i32
    %cond3A_119 = arith.constant 0 : i32
    %cond3A_120 = arith.cmpi ne, %convert_element_type3A, %cond3A_119 : i32
    scf.if %cond3A_120 {
      %add3A_129 = arith.constant 2496 : i32
      %add3A_130 = arith.addi %add3A_129, %add3A : i32
      %mul3A_131 = arith.constant 128 : i32
      %mul3A_132 = arith.muli %add3A_130, %mul3A_131 : i32
      %run_scoped3A_133 = arith.constant 0 : i32
      "tpu.region"() ({
        %run_scoped3A_164 = tpu.sem_alloc : memref<!tpu.dma_semaphore, #tpu.memory_space<semaphore_mem>>
        %dma_start3A_165 = arith.constant 0 : i32
        %dma_start3A_166 = tpu.memref_slice %arg7[%run_scoped3A_133, %dma_start3A_165] : memref<2x3328xi32, #tpu.memory_space<vmem>> -> memref<1x128xi32, #tpu.memory_space<vmem>>
        %dma_start3A_167 = tpu.memref_squeeze %dma_start3A_166 : memref<1x128xi32, #tpu.memory_space<vmem>> -> memref<128xi32, #tpu.memory_space<vmem>>
        %dma_start3A_168 = tpu.memref_slice %arg4[%mul3A_132] : memref<320000xi32, #tpu.memory_space<hbm>> -> memref<128xi32, #tpu.memory_space<hbm>>
        %dma_start3A_169 = arith.constant 0 : i32
        %dma_start3A_170 = tpu.memref_slice %arg7[%run_scoped3A_133, %dma_start3A_169] : memref<2x3328xi32, #tpu.memory_space<vmem>> -> memref<1x128xi32, #tpu.memory_space<vmem>>
        %dma_start3A_171 = tpu.memref_squeeze %dma_start3A_170 : memref<1x128xi32, #tpu.memory_space<vmem>> -> memref<128xi32, #tpu.memory_space<vmem>>
        %dma_start3A_172 = tpu.memref_slice %arg4[%mul3A_132] : memref<320000xi32, #tpu.memory_space<hbm>> -> memref<128xi32, #tpu.memory_space<hbm>>
        tpu.enqueue_dma source(%dma_start3A_172 : memref<128xi32, #tpu.memory_space<hbm>>) target(%dma_start3A_171 : memref<128xi32, #tpu.memory_space<vmem>>) target_semaphore(%run_scoped3A_164 : memref<!tpu.dma_semaphore, #tpu.memory_space<semaphore_mem>>)
        %dma_wait3A_173 = arith.constant 0 : i32
        %dma_wait3A_174 = tpu.memref_slice %arg7[%run_scoped3A_133, %dma_wait3A_173] : memref<2x3328xi32, #tpu.memory_space<vmem>> -> memref<1x128xi32, #tpu.memory_space<vmem>>
        %dma_wait3A_175 = tpu.memref_squeeze %dma_wait3A_174 : memref<1x128xi32, #tpu.memory_space<vmem>> -> memref<128xi32, #tpu.memory_space<vmem>>
        %dma_wait3A_176 = tpu.memref_slice %arg4[%mul3A_132] : memref<320000xi32, #tpu.memory_space<hbm>> -> memref<128xi32, #tpu.memory_space<hbm>>
        %dma_wait3A_177 = arith.constant 0 : i32
        %dma_wait3A_178 = tpu.memref_slice %arg7[%run_scoped3A_133, %dma_wait3A_177] : memref<2x3328xi32, #tpu.memory_space<vmem>> -> memref<1x128xi32, #tpu.memory_space<vmem>>
        %dma_wait3A_179 = tpu.memref_squeeze %dma_wait3A_178 : memref<1x128xi32, #tpu.memory_space<vmem>> -> memref<128xi32, #tpu.memory_space<vmem>>
        %dma_wait3A_180 = tpu.memref_slice %arg4[%mul3A_132] : memref<320000xi32, #tpu.memory_space<hbm>> -> memref<128xi32, #tpu.memory_space<hbm>>
        tpu.wait_dma2 semaphore(%run_scoped3A_164 : memref<!tpu.dma_semaphore, #tpu.memory_space<semaphore_mem>>) src(%dma_wait3A_180 : memref<128xi32, #tpu.memory_space<hbm>>) dst(%dma_wait3A_179 : memref<128xi32, #tpu.memory_space<vmem>>)
        tpu.yield
      }) : () -> ()
      "tpu.region"() ({
        %run_scoped3A_164 = tpu.sem_alloc : memref<!tpu.dma_semaphore, #tpu.memory_space<semaphore_mem>>
        %dma_start3A_165 = arith.constant 0 : i32
        %dma_start3A_166 = tpu.memref_slice %arg8[%dma_start3A_165] : memref<3328xi32, #tpu.memory_space<vmem>> -> memref<128xi32, #tpu.memory_space<vmem>>
        %dma_start3A_167 = tpu.memref_slice %arg5[%mul3A_132] : memref<320000xi32, #tpu.memory_space<hbm>> -> memref<128xi32, #tpu.memory_space<hbm>>
        %dma_start3A_168 = arith.constant 0 : i32
        %dma_start3A_169 = tpu.memref_slice %arg8[%dma_start3A_168] : memref<3328xi32, #tpu.memory_space<vmem>> -> memref<128xi32, #tpu.memory_space<vmem>>
        %dma_start3A_170 = tpu.memref_slice %arg5[%mul3A_132] : memref<320000xi32, #tpu.memory_space<hbm>> -> memref<128xi32, #tpu.memory_space<hbm>>
        tpu.enqueue_dma source(%dma_start3A_170 : memref<128xi32, #tpu.memory_space<hbm>>) target(%dma_start3A_169 : memref<128xi32, #tpu.memory_space<vmem>>) target_semaphore(%run_scoped3A_164 : memref<!tpu.dma_semaphore, #tpu.memory_space<semaphore_mem>>)
        %dma_wait3A_171 = arith.constant 0 : i32
        %dma_wait3A_172 = tpu.memref_slice %arg8[%dma_wait3A_171] : memref<3328xi32, #tpu.memory_space<vmem>> -> memref<128xi32, #tpu.memory_space<vmem>>
        %dma_wait3A_173 = tpu.memref_slice %arg5[%mul3A_132] : memref<320000xi32, #tpu.memory_space<hbm>> -> memref<128xi32, #tpu.memory_space<hbm>>
        %dma_wait3A_174 = arith.constant 0 : i32
        %dma_wait3A_175 = tpu.memref_slice %arg8[%dma_wait3A_174] : memref<3328xi32, #tpu.memory_space<vmem>> -> memref<128xi32, #tpu.memory_space<vmem>>
        %dma_wait3A_176 = tpu.memref_slice %arg5[%mul3A_132] : memref<320000xi32, #tpu.memory_space<hbm>> -> memref<128xi32, #tpu.memory_space<hbm>>
        tpu.wait_dma2 semaphore(%run_scoped3A_164 : memref<!tpu.dma_semaphore, #tpu.memory_space<semaphore_mem>>) src(%dma_wait3A_176 : memref<128xi32, #tpu.memory_space<hbm>>) dst(%dma_wait3A_175 : memref<128xi32, #tpu.memory_space<vmem>>)
        tpu.yield
      }) : () -> ()
      %scan3A_134 = arith.constant 0 : i32
      %scan3A_135 = arith.constant 0 : i32
      %scan3A_136 = arith.constant 8 : i32
      %scan3A_137 = arith.addi %scan3A_135, %scan3A_136 : i32
      %scan3A_138 = arith.constant 1 : i32
      %scan3A_139 = scf.for %scan3A_164 = %scan3A_135 to %scan3A_137 step %scan3A_138 iter_args(%scan3A_165 = %scan3A_134) -> (i32)  : i32 {
        %mul3A_166 = arith.constant 16 : i32
        %mul3A_167 = arith.muli %scan3A_164, %mul3A_166 : i32
        %get3A = arith.index_cast %mul3A_167 : i32 to index
        %get3A_168 = tpu.vector_load %arg8[%get3A] {strides = array<i32>} : memref<3328xi32, #tpu.memory_space<vmem>>, vector<16xi32>,
        %get3A_169 = vector.shape_cast %get3A_168 : vector<16xi32> to vector<16xi32>
        %mul3A_170 = arith.constant 16 : i32
        %mul3A_171 = arith.muli %scan3A_164, %mul3A_170 : i32
        %swap3A = arith.constant 0 : i32
        %swap3A_172 = arith.constant 0 : i32
        %swap3A_173 = arith.index_cast %swap3A : i32 to index
        %swap3A_174 = arith.index_cast %swap3A_172 : i32 to index
        %swap3A_175 = arith.index_cast %mul3A_171 : i32 to index
        %swap3A_176 = tpu.vector_load %arg9[%swap3A_173, %swap3A_174, %swap3A_175] {strides = array<i32>} : memref<2x26x128xi32, #tpu.memory_space<vmem>>, vector<1x1x16xi32>,
        %swap3A_177 = vector.shape_cast %swap3A_176 : vector<1x1x16xi32> to vector<16xi32>
        %swap3A_178 = vector.shape_cast %get3A_169 : vector<16xi32> to vector<1x1x16xi32>
        tpu.vector_store %arg9[%swap3A_173, %swap3A_174, %swap3A_175], %swap3A_178 {strides = array<i32>} : memref<2x26x128xi32, #tpu.memory_space<vmem>>, vector<1x1x16xi32>,
        %scan3A_179 = arith.constant 0 : i32
        scf.yield %scan3A_179 : i32
      }
      %scan3A_140 = arith.constant 8 : i32
      %dma_start3A_141 = arith.constant 0 : i32
      %dma_start3A_142 = arith.constant 0 : i32
      %dma_start3A_143 = arith.constant 0 : i32
      %dma_start3A_144 = tpu.memref_slice %arg10[%cond3A, %dma_start3A_142, %dma_start3A_143] : memref<2x128x128xf32, #tpu.memory_space<vmem>> -> memref<1x128x128xf32, #tpu.memory_space<vmem>>
      %dma_start3A_145 = tpu.memref_squeeze %dma_start3A_144 : memref<1x128x128xf32, #tpu.memory_space<vmem>> -> memref<128x128xf32, #tpu.memory_space<vmem>>
      %dma_start3A_146 = arith.constant 0 : i32
      %dma_start3A_147 = tpu.memref_slice %arg7[%dma_start3A_141, %dma_start3A_146] : memref<2x3328xi32, #tpu.memory_space<vmem>> -> memref<1x128xi32, #tpu.memory_space<vmem>>
      %dma_start3A_148 = tpu.memref_squeeze %dma_start3A_147 : memref<1x128xi32, #tpu.memory_space<vmem>> -> memref<128xi32, #tpu.memory_space<vmem>>
      %dma_start3A_149 = arith.constant 0 : i32
      %dma_start3A_150 = arith.constant 0 : i32
      %dma_start3A_151 = tpu.memref_slice %arg2[%dma_start3A_149, %dma_start3A_150] : memref<10000x128xf32, #tpu.memory_space<hbm>> -> memref<10000x128xf32, #tpu.memory_space<hbm>>
      tpu.enqueue_indirect_dma source(%dma_start3A_151 : memref<10000x128xf32, #tpu.memory_space<hbm>>) target(%dma_start3A_145 : memref<128x128xf32, #tpu.memory_space<vmem>>) offsets(%dma_start3A_148 : memref<128xi32, #tpu.memory_space<vmem>>) semaphore(%arg12 : memref<!tpu.dma_semaphore, #tpu.memory_space<semaphore_mem>>)
      %dma_wait3A = arith.constant 0 : i32
      %dma_wait3A_152 = arith.constant 0 : i32
      %dma_wait3A_153 = arith.constant 0 : i32
      %dma_wait3A_154 = tpu.memref_slice %arg10[%cond3A, %dma_wait3A_152, %dma_wait3A_153] : memref<2x128x128xf32, #tpu.memory_space<vmem>> -> memref<1x128x128xf32, #tpu.memory_space<vmem>>
      %dma_wait3A_155 = tpu.memref_squeeze %dma_wait3A_154 : memref<1x128x128xf32, #tpu.memory_space<vmem>> -> memref<128x128xf32, #tpu.memory_space<vmem>>
      %dma_wait3A_156 = arith.constant 0 : i32
      %dma_wait3A_157 = tpu.memref_slice %arg7[%dma_wait3A, %dma_wait3A_156] : memref<2x3328xi32, #tpu.memory_space<vmem>> -> memref<1x128xi32, #tpu.memory_space<vmem>>
      %dma_wait3A_158 = tpu.memref_squeeze %dma_wait3A_157 : memref<1x128xi32, #tpu.memory_space<vmem>> -> memref<128xi32, #tpu.memory_space<vmem>>
      %dma_wait3A_159 = arith.constant 0 : i32
      %dma_wait3A_160 = arith.constant 0 : i32
      %dma_wait3A_161 = tpu.memref_slice %arg2[%dma_wait3A_159, %dma_wait3A_160] : memref<10000x128xf32, #tpu.memory_space<hbm>> -> memref<10000x128xf32, #tpu.memory_space<hbm>>
      tpu.wait_indirect_dma semaphore(%arg12 : memref<!tpu.dma_semaphore, #tpu.memory_space<semaphore_mem>>) src(%dma_wait3A_161 : memref<10000x128xf32, #tpu.memory_space<hbm>>) dst(%dma_wait3A_155 : memref<128x128xf32, #tpu.memory_space<vmem>>)
      %run_scoped3A_162 = arith.constant 0 : i32
      %run_scoped3A_163 = arith.constant 0 : i32
      "tpu.region"() ({
        %run_scoped3A_164 = tpu.sem_alloc : memref<!tpu.dma_semaphore, #tpu.memory_space<semaphore_mem>>
        %dma_start3A_165 = arith.constant 0 : i32
        %dma_start3A_166 = arith.constant 0 : i32
        %dma_start3A_167 = tpu.memref_slice %arg10[%cond3A, %dma_start3A_165, %dma_start3A_166] : memref<2x128x128xf32, #tpu.memory_space<vmem>> -> memref<1x128x128xf32, #tpu.memory_space<vmem>>
        %dma_start3A_168 = tpu.memref_squeeze %dma_start3A_167 : memref<1x128x128xf32, #tpu.memory_space<vmem>> -> memref<128x128xf32, #tpu.memory_space<vmem>>
        %dma_start3A_169 = arith.constant 0 : i32
        %dma_start3A_170 = tpu.memref_slice %arg9[%run_scoped3A_162, %run_scoped3A_163, %dma_start3A_169] : memref<2x26x128xi32, #tpu.memory_space<vmem>> -> memref<1x1x128xi32, #tpu.memory_space<vmem>>
        %dma_start3A_171 = tpu.memref_squeeze %dma_start3A_170 : memref<1x1x128xi32, #tpu.memory_space<vmem>> -> memref<128xi32, #tpu.memory_space<vmem>>
        %dma_start3A_172 = arith.constant 0 : i32
        %dma_start3A_173 = arith.constant 0 : i32
        %dma_start3A_174 = tpu.memref_slice %arg11[%dma_start3A_172, %dma_start3A_173] : memref<10000x128xf32, #tpu.memory_space<vmem_shared>> -> memref<10000x128xf32, #tpu.memory_space<vmem_shared>>
        tpu.enqueue_indirect_dma source(%dma_start3A_168 : memref<128x128xf32, #tpu.memory_space<vmem>>) target(%dma_start3A_174 : memref<10000x128xf32, #tpu.memory_space<vmem_shared>>) offsets(%dma_start3A_171 : memref<128xi32, #tpu.memory_space<vmem>>) semaphore(%run_scoped3A_164 : memref<!tpu.dma_semaphore, #tpu.memory_space<semaphore_mem>>) {add = true}
        %dma_wait3A_175 = arith.constant 0 : i32
        %dma_wait3A_176 = arith.constant 0 : i32
        %dma_wait3A_177 = tpu.memref_slice %arg10[%cond3A, %dma_wait3A_175, %dma_wait3A_176] : memref<2x128x128xf32, #tpu.memory_space<vmem>> -> memref<1x128x128xf32, #tpu.memory_space<vmem>>
        %dma_wait3A_178 = tpu.memref_squeeze %dma_wait3A_177 : memref<1x128x128xf32, #tpu.memory_space<vmem>> -> memref<128x128xf32, #tpu.memory_space<vmem>>
        %dma_wait3A_179 = arith.constant 0 : i32
        %dma_wait3A_180 = tpu.memref_slice %arg9[%run_scoped3A_162, %run_scoped3A_163, %dma_wait3A_179] : memref<2x26x128xi32, #tpu.memory_space<vmem>> -> memref<1x1x128xi32, #tpu.memory_space<vmem>>
        %dma_wait3A_181 = tpu.memref_squeeze %dma_wait3A_180 : memref<1x1x128xi32, #tpu.memory_space<vmem>> -> memref<128xi32, #tpu.memory_space<vmem>>
        %dma_wait3A_182 = arith.constant 0 : i32
        %dma_wait3A_183 = arith.constant 0 : i32
        %dma_wait3A_184 = tpu.memref_slice %arg11[%dma_wait3A_182, %dma_wait3A_183] : memref<10000x128xf32, #tpu.memory_space<vmem_shared>> -> memref<10000x128xf32, #tpu.memory_space<vmem_shared>>
        tpu.wait_indirect_dma semaphore(%run_scoped3A_164 : memref<!tpu.dma_semaphore, #tpu.memory_space<semaphore_mem>>) src(%dma_wait3A_178 : memref<128x128xf32, #tpu.memory_space<vmem>>) dst(%dma_wait3A_184 : memref<10000x128xf32, #tpu.memory_space<vmem_shared>>)
        tpu.yield
      }) : () -> ()
    } else {
    }
    %barrier3A_121 = arith.constant 0 : index
    tpu.barrier barrier_id(%barrier3A_121)
    %scan3A_122 = arith.constant 0 : i32
    %scan3A_123 = arith.constant 0 : i32
    %scan3A_124 = arith.constant 4 : i32
    %scan3A_125 = arith.addi %scan3A_123, %scan3A_124 : i32
    %scan3A_126 = arith.constant 1 : i32
    %scan3A_127 = scf.for %scan3A_129 = %scan3A_123 to %scan3A_125 step %scan3A_126 iter_args(%scan3A_130 = %scan3A_122) -> (i32)  : i32 {
      %mul3A_131 = arith.constant 16 : i32
      %mul3A_132 = arith.muli %scan3A_129, %mul3A_131 : i32
      %add3A_133 = arith.addi %mul3A_132, %arg1 : i32
      %lt3A_134 = arith.constant 50 : i32
      %lt3A_135 = arith.cmpi slt, %add3A_133, %lt3A_134 : i32
      %convert_element_type3A_136 = arith.extui %lt3A_135 : i1 to i32
      %cond3A_137 = arith.constant 0 : i32
      %cond3A_138 = arith.cmpi ne, %convert_element_type3A_136, %cond3A_137 : i32
      scf.if %cond3A_138 {
        %mul3A_140 = arith.constant 200 : i32
        %mul3A_141 = arith.muli %add3A_133, %mul3A_140 : i32
        %mul3A_142 = arith.constant 200 : i32
        %mul3A_143 = arith.muli %add3A_133, %mul3A_142 : i32
        "tpu.region"() ({
          %run_scoped3A_144 = tpu.sem_alloc : memref<!tpu.dma_semaphore, #tpu.memory_space<semaphore_mem>>
          %dma_start3A_145 = arith.constant 0 : i32
          %dma_start3A_146 = tpu.memref_slice %arg6[%arg0, %mul3A_143, %dma_start3A_145] : memref<2x10000x128xf32, #tpu.memory_space<hbm>> -> memref<1x200x128xf32, #tpu.memory_space<hbm>>
          %dma_start3A_147 = tpu.memref_squeeze %dma_start3A_146 : memref<1x200x128xf32, #tpu.memory_space<hbm>> -> memref<200x128xf32, #tpu.memory_space<hbm>>
          %dma_start3A_148 = arith.constant 0 : i32
          %dma_start3A_149 = tpu.memref_slice %arg11[%mul3A_141, %dma_start3A_148] : memref<10000x128xf32, #tpu.memory_space<vmem_shared>> -> memref<200x128xf32, #tpu.memory_space<vmem_shared>>
          tpu.enqueue_dma source(%dma_start3A_149 : memref<200x128xf32, #tpu.memory_space<vmem_shared>>) target(%dma_start3A_147 : memref<200x128xf32, #tpu.memory_space<hbm>>) target_semaphore(%run_scoped3A_144 : memref<!tpu.dma_semaphore, #tpu.memory_space<semaphore_mem>>)
          %dma_wait3A = arith.constant 0 : i32
          %dma_wait3A_150 = tpu.memref_slice %arg6[%arg0, %mul3A_143, %dma_wait3A] : memref<2x10000x128xf32, #tpu.memory_space<hbm>> -> memref<1x200x128xf32, #tpu.memory_space<hbm>>
          %dma_wait3A_151 = tpu.memref_squeeze %dma_wait3A_150 : memref<1x200x128xf32, #tpu.memory_space<hbm>> -> memref<200x128xf32, #tpu.memory_space<hbm>>
          %dma_wait3A_152 = arith.constant 0 : i32
          %dma_wait3A_153 = tpu.memref_slice %arg11[%mul3A_141, %dma_wait3A_152] : memref<10000x128xf32, #tpu.memory_space<vmem_shared>> -> memref<200x128xf32, #tpu.memory_space<vmem_shared>>
          tpu.wait_dma2 semaphore(%run_scoped3A_144 : memref<!tpu.dma_semaphore, #tpu.memory_space<semaphore_mem>>) src(%dma_wait3A_153 : memref<200x128xf32, #tpu.memory_space<vmem_shared>>) dst(%dma_wait3A_151 : memref<200x128xf32, #tpu.memory_space<hbm>>)
          tpu.yield
        }) : () -> ()
      } else {
      }
      %scan3A_139 = arith.constant 0 : i32
      scf.yield %scan3A_139 : i32
    }
    %scan3A_128 = arith.constant 4 : i32
    return
  }
}

module attributes {stable_mosaic.version = 14 : i64} {
  func.func @_split_body(%arg0: memref<2x320000xi32, #tpu.memory_space<vmem>>, %arg1: memref<320000xi32, #tpu.memory_space<vmem>>, %arg2: memref<320000xi32, #tpu.memory_space<vmem>>) attributes {dimension_semantics = [], scalar_prefetch = 0 : i64, scratch_operands = 0 : i64, tpu.core_type = #tpu.core_type<tc>} {
    %get3A = arith.constant 0 : index
    %get3A_0 = arith.constant 0 : index
    %get3A_1 = vector.load %arg0[%get3A, %get3A_0] : memref<2x320000xi32, #tpu.memory_space<vmem>>, vector<1x320000xi32>
    %get3A_2 = vector.shape_cast %get3A_1 : vector<1x320000xi32> to vector<320000xi32>
    %swap3A = arith.constant 0 : index
    %swap3A_3 = vector.load %arg1[%swap3A] : memref<320000xi32, #tpu.memory_space<vmem>>, vector<320000xi32>
    tpu.vector_store %arg1[%swap3A], %get3A_2 {strides = array<i32>} : memref<320000xi32, #tpu.memory_space<vmem>>, vector<320000xi32>,
    %get3A_4 = arith.constant 1 : index
    %get3A_5 = arith.constant 0 : index
    %get3A_6 = vector.load %arg0[%get3A_4, %get3A_5] : memref<2x320000xi32, #tpu.memory_space<vmem>>, vector<1x320000xi32>
    %get3A_7 = vector.shape_cast %get3A_6 : vector<1x320000xi32> to vector<320000xi32>
    %swap3A_8 = arith.constant 0 : index
    %swap3A_9 = vector.load %arg2[%swap3A_8] : memref<320000xi32, #tpu.memory_space<vmem>>, vector<320000xi32>
    tpu.vector_store %arg2[%swap3A_8], %get3A_7 {strides = array<i32>} : memref<320000xi32, #tpu.memory_space<vmem>>, vector<320000xi32>,
    return
  }
}

module attributes {stable_mosaic.version = 14 : i64} {
  func.func @_tc1_body(%arg0: i32, %arg1: memref<2x1000x128xf32, #tpu.memory_space<vmem>>, %arg2: memref<128x128xf32, #tpu.memory_space<vmem>>, %arg3: memref<128x100xf32, #tpu.memory_space<vmem>>, %arg4: memref<100x640xf32, #tpu.memory_space<vmem>>, %arg5: memref<2xf32, #tpu.memory_space<smem>>, %arg6: memref<1000x5xf32, #tpu.memory_space<vmem>>, %arg7: memref<1000x1xf32, #tpu.memory_space<vmem>>) attributes {dimension_semantics = [#tpu.dimension_semantics<arbitrary>], iteration_bounds = array<i64: 10>, scalar_prefetch = 0 : i64, scratch_operands = 0 : i64, tpu.core_type = #tpu.core_type<tc>, window_params = [{transform_indices = @transform_0, window_bounds = array<i64: 2, 1000, 128>}, {pipeline_mode = #tpu.pipeline_mode<synchronous>, transform_indices = @transform_1, window_bounds = array<i64: 128, 128>}, {pipeline_mode = #tpu.pipeline_mode<synchronous>, transform_indices = @transform_2, window_bounds = array<i64: 128, 100>}, {pipeline_mode = #tpu.pipeline_mode<synchronous>, transform_indices = @transform_3, window_bounds = array<i64: 100, 640>}, {transform_indices = @transform_4, window_bounds = array<i64: 2>}, {transform_indices = @transform_5, window_bounds = array<i64: 1000, 5>}, {transform_indices = @transform_6, window_bounds = array<i64: 1000, 1>}]} {
    %get3A = arith.constant 0 : index
    %get3A_0 = arith.constant 0 : index
    %get3A_1 = arith.constant 0 : index
    %get3A_2 = vector.load %arg1[%get3A, %get3A_0, %get3A_1] : memref<2x1000x128xf32, #tpu.memory_space<vmem>>, vector<1x1000x128xf32>
    %get3A_3 = vector.shape_cast %get3A_2 : vector<1x1000x128xf32> to vector<1000x128xf32>
    %get3A_4 = arith.constant 1 : index
    %get3A_5 = arith.constant 0 : index
    %get3A_6 = arith.constant 0 : index
    %get3A_7 = vector.load %arg1[%get3A_4, %get3A_5, %get3A_6] : memref<2x1000x128xf32, #tpu.memory_space<vmem>>, vector<1x1000x128xf32>
    %get3A_8 = vector.shape_cast %get3A_7 : vector<1x1000x128xf32> to vector<1000x128xf32>
    %add3A = arith.addf %get3A_3, %get3A_8 : vector<1000x128xf32>
    %get3A_9 = arith.constant 0 : index
    %get3A_10 = arith.constant 0 : index
    %get3A_11 = vector.load %arg2[%get3A_9, %get3A_10] : memref<128x128xf32, #tpu.memory_space<vmem>>, vector<128x128xf32>
    %dot_general3A = arith.constant dense<0.000000e+00> : vector<1000x128xf32>
    %dot_general3A_12 = tpu.matmul %add3A, %get3A_11, %dot_general3A {dimension_numbers = #tpu.dot_dimension_numbers<[1], [0], [0], [1], [0, 0, 1, 1], [], []>, transpose_lhs_hint = false} : vector<1000x128xf32>, vector<128x128xf32>, vector<1000x128xf32> -> vector<1000x128xf32>
    %max3A = arith.constant 0.000000e+00 : f32
    %max3A_13 = vector.broadcast %max3A : f32 to vector<1000x128xf32>
    %max3A_14 = arith.maximumf %dot_general3A_12, %max3A_13 : vector<1000x128xf32>
    %get3A_15 = arith.constant 0 : index
    %get3A_16 = arith.constant 0 : index
    %get3A_17 = vector.load %arg3[%get3A_15, %get3A_16] : memref<128x100xf32, #tpu.memory_space<vmem>>, vector<128x100xf32>
    %dot_general3A_18 = arith.constant dense<0.000000e+00> : vector<1000x100xf32>
    %dot_general3A_19 = tpu.matmul %max3A_14, %get3A_17, %dot_general3A_18 {dimension_numbers = #tpu.dot_dimension_numbers<[1], [0], [0], [1], [0, 0, 1, 1], [], []>, transpose_lhs_hint = false} : vector<1000x128xf32>, vector<128x100xf32>, vector<1000x100xf32> -> vector<1000x100xf32>
    %get3A_20 = arith.constant 0 : index
    %get3A_21 = arith.constant 0 : index
    %get3A_22 = vector.load %arg4[%get3A_20, %get3A_21] : memref<100x640xf32, #tpu.memory_space<vmem>>, vector<100x640xf32>
    %dot_general3A_23 = arith.constant dense<0.000000e+00> : vector<1000x640xf32>
    %dot_general3A_24 = tpu.matmul %dot_general3A_19, %get3A_22, %dot_general3A_23 {dimension_numbers = #tpu.dot_dimension_numbers<[1], [0], [0], [1], [0, 0, 1, 1], [], []>, transpose_lhs_hint = false} : vector<1000x100xf32>, vector<100x640xf32>, vector<1000x640xf32> -> vector<1000x640xf32>
    %iota3A = tpu.iota {dimensions = array<i32: 1>} : vector<1000x128xi32>
    %iota3A_25 = tpu.iota {dimensions = array<i32: 0>} : vector<1000x128xi32>
    %jit3A = arith.constant 100 : i32
    %eq3A = arith.constant 0 : i32
    %eq3A_26 = arith.cmpi eq, %jit3A, %eq3A : i32
    %jit3A_27 = arith.constant 1 : i32
    %select_n3A = arith.select %eq3A_26, %jit3A_27, %jit3A : i32
    %rem3A = vector.broadcast %select_n3A : i32 to vector<1000x128xi32>
    %rem3A_28 = arith.remsi %iota3A_25, %rem3A : vector<1000x128xi32>
    %ne3A = arith.constant 0 : i32
    %ne3A_29 = vector.broadcast %ne3A : i32 to vector<1000x128xi32>
    %ne3A_30 = arith.cmpi ne, %rem3A_28, %ne3A_29 : vector<1000x128xi32>
    %lt3A = arith.constant 0 : i32
    %lt3A_31 = vector.broadcast %lt3A : i32 to vector<1000x128xi32>
    %lt3A_32 = arith.cmpi slt, %rem3A_28, %lt3A_31 : vector<1000x128xi32>
    %lt3A_33 = arith.constant 0 : i32
    %lt3A_34 = arith.cmpi slt, %select_n3A, %lt3A_33 : i32
    %ne3A_35 = vector.broadcast %lt3A_34 : i1 to vector<1000x128xi1>
    %ne3A_36 = vector.broadcast %ne3A_35 : vector<1000x128xi1> to vector<1000x128xi1>
    %ne3A_37 = arith.xori %lt3A_32, %ne3A_36 : vector<1000x128xi1>
    %and3A = arith.andi %ne3A_37, %ne3A_30 : vector<1000x128xi1>
    %add3A_38 = vector.broadcast %select_n3A : i32 to vector<1000x128xi32>
    %add3A_39 = arith.addi %rem3A_28, %add3A_38 : vector<1000x128xi32>
    %select_n3A_40 = arith.select %and3A, %add3A_39, %rem3A_28 : vector<1000x128xi1>, vector<1000x128xi32>
    %eq3A_41 = arith.cmpi eq, %iota3A, %select_n3A_40 : vector<1000x128xi32>
    %slice3A = vector.extract_strided_slice %dot_general3A_24 {offsets = [0, 0], sizes = [1000, 128], strides = [1, 1]} : vector<1000x640xf32> to vector<1000x128xf32>
    %jit3A_42 = arith.constant 0.000000e+00 : f32
    %broadcast_in_dim3A = vector.broadcast %jit3A_42 : f32 to vector<1000x128xf32>
    %select_n3A_43 = arith.select %eq3A_41, %slice3A, %broadcast_in_dim3A : vector<1000x128xi1>, vector<1000x128xf32>
    %reduce_sum3A = arith.constant dense<0.000000e+00> : vector<1000xf32>
    %reduce_sum3A_44 = vector.multi_reduction <add>, %select_n3A_43, %reduce_sum3A [1] : vector<1000x128xf32> to vector<1000xf32>
    %broadcast_in_dim3A_45 = vector.shape_cast %reduce_sum3A_44 : vector<1000xf32> to vector<1000x1xf32>
    %slice3A_46 = vector.extract_strided_slice %dot_general3A_24 {offsets = [0, 128], sizes = [1000, 128], strides = [1, 1]} : vector<1000x640xf32> to vector<1000x128xf32>
    %jit3A_47 = arith.constant 0.000000e+00 : f32
    %broadcast_in_dim3A_48 = vector.broadcast %jit3A_47 : f32 to vector<1000x128xf32>
    %select_n3A_49 = arith.select %eq3A_41, %slice3A_46, %broadcast_in_dim3A_48 : vector<1000x128xi1>, vector<1000x128xf32>
    %reduce_sum3A_50 = arith.constant dense<0.000000e+00> : vector<1000xf32>
    %reduce_sum3A_51 = vector.multi_reduction <add>, %select_n3A_49, %reduce_sum3A_50 [1] : vector<1000x128xf32> to vector<1000xf32>
    %broadcast_in_dim3A_52 = vector.shape_cast %reduce_sum3A_51 : vector<1000xf32> to vector<1000x1xf32>
    %slice3A_53 = vector.extract_strided_slice %dot_general3A_24 {offsets = [0, 256], sizes = [1000, 128], strides = [1, 1]} : vector<1000x640xf32> to vector<1000x128xf32>
    %jit3A_54 = arith.constant 0.000000e+00 : f32
    %broadcast_in_dim3A_55 = vector.broadcast %jit3A_54 : f32 to vector<1000x128xf32>
    %select_n3A_56 = arith.select %eq3A_41, %slice3A_53, %broadcast_in_dim3A_55 : vector<1000x128xi1>, vector<1000x128xf32>
    %reduce_sum3A_57 = arith.constant dense<0.000000e+00> : vector<1000xf32>
    %reduce_sum3A_58 = vector.multi_reduction <add>, %select_n3A_56, %reduce_sum3A_57 [1] : vector<1000x128xf32> to vector<1000xf32>
    %broadcast_in_dim3A_59 = vector.shape_cast %reduce_sum3A_58 : vector<1000xf32> to vector<1000x1xf32>
    %slice3A_60 = vector.extract_strided_slice %dot_general3A_24 {offsets = [0, 384], sizes = [1000, 128], strides = [1, 1]} : vector<1000x640xf32> to vector<1000x128xf32>
    %jit3A_61 = arith.constant 0.000000e+00 : f32
    %broadcast_in_dim3A_62 = vector.broadcast %jit3A_61 : f32 to vector<1000x128xf32>
    %select_n3A_63 = arith.select %eq3A_41, %slice3A_60, %broadcast_in_dim3A_62 : vector<1000x128xi1>, vector<1000x128xf32>
    %reduce_sum3A_64 = arith.constant dense<0.000000e+00> : vector<1000xf32>
    %reduce_sum3A_65 = vector.multi_reduction <add>, %select_n3A_63, %reduce_sum3A_64 [1] : vector<1000x128xf32> to vector<1000xf32>
    %broadcast_in_dim3A_66 = vector.shape_cast %reduce_sum3A_65 : vector<1000xf32> to vector<1000x1xf32>
    %slice3A_67 = vector.extract_strided_slice %dot_general3A_24 {offsets = [0, 512], sizes = [1000, 128], strides = [1, 1]} : vector<1000x640xf32> to vector<1000x128xf32>
    %jit3A_68 = arith.constant 0.000000e+00 : f32
    %broadcast_in_dim3A_69 = vector.broadcast %jit3A_68 : f32 to vector<1000x128xf32>
    %select_n3A_70 = arith.select %eq3A_41, %slice3A_67, %broadcast_in_dim3A_69 : vector<1000x128xi1>, vector<1000x128xf32>
    %reduce_sum3A_71 = arith.constant dense<0.000000e+00> : vector<1000xf32>
    %reduce_sum3A_72 = vector.multi_reduction <add>, %select_n3A_70, %reduce_sum3A_71 [1] : vector<1000x128xf32> to vector<1000xf32>
    %broadcast_in_dim3A_73 = vector.shape_cast %reduce_sum3A_72 : vector<1000xf32> to vector<1000x1xf32>
    %concatenate3A = tpu.concatenate %broadcast_in_dim3A_45, %broadcast_in_dim3A_52, %broadcast_in_dim3A_59, %broadcast_in_dim3A_66, %broadcast_in_dim3A_73 in 1 : vector<1000x1xf32>, vector<1000x1xf32>, vector<1000x1xf32>, vector<1000x1xf32>, vector<1000x1xf32> -> vector<1000x5xf32>
    %swap3A = arith.constant 0 : index
    %swap3A_74 = arith.constant 0 : index
    %swap3A_75 = vector.load %arg6[%swap3A, %swap3A_74] : memref<1000x5xf32, #tpu.memory_space<vmem>>, vector<1000x5xf32>
    tpu.vector_store %arg6[%swap3A, %swap3A_74], %concatenate3A {strides = array<i32>} : memref<1000x5xf32, #tpu.memory_space<vmem>>, vector<1000x5xf32>,
    %reduce_sum3A_76 = arith.constant dense<0.000000e+00> : vector<1000xf32>
    %reduce_sum3A_77 = vector.multi_reduction <add>, %max3A_14, %reduce_sum3A_76 [1] : vector<1000x128xf32> to vector<1000xf32>
    %get3A_78 = arith.constant 0 : index
    %get3A_79 = memref.load %arg5[%get3A_78] : memref<2xf32, #tpu.memory_space<smem>>
    %div3A = arith.constant 1.280000e+02 : f32
    %div3A_80 = arith.divf %get3A_79, %div3A : f32
    %mul3A = vector.broadcast %div3A_80 : f32 to vector<1000xf32>
    %mul3A_81 = arith.mulf %reduce_sum3A_77, %mul3A : vector<1000xf32>
    %reduce_sum3A_82 = arith.constant dense<0.000000e+00> : vector<1000xf32>
    %reduce_sum3A_83 = vector.multi_reduction <add>, %add3A, %reduce_sum3A_82 [1] : vector<1000x128xf32> to vector<1000xf32>
    %get3A_84 = arith.constant 1 : index
    %get3A_85 = memref.load %arg5[%get3A_84] : memref<2xf32, #tpu.memory_space<smem>>
    %div3A_86 = arith.constant 1.280000e+02 : f32
    %div3A_87 = arith.divf %get3A_85, %div3A_86 : f32
    %mul3A_88 = vector.broadcast %div3A_87 : f32 to vector<1000xf32>
    %mul3A_89 = arith.mulf %reduce_sum3A_83, %mul3A_88 : vector<1000xf32>
    %add3A_90 = arith.addf %mul3A_81, %mul3A_89 : vector<1000xf32>
    %reshape3A = vector.shape_cast %add3A_90 : vector<1000xf32> to vector<1000x1xf32>
    %swap3A_91 = arith.constant 0 : index
    %swap3A_92 = arith.constant 0 : index
    %swap3A_93 = vector.load %arg7[%swap3A_91, %swap3A_92] : memref<1000x1xf32, #tpu.memory_space<vmem>>, vector<1000x1xf32>
    tpu.vector_store %arg7[%swap3A_91, %swap3A_92], %reshape3A {strides = array<i32>} : memref<1000x1xf32, #tpu.memory_space<vmem>>, vector<1000x1xf32>,
    return
  }
  func.func @transform_0(%arg0: i32) -> (i32, i32, i32) {
    %c0_i32 = arith.constant 0 : i32
    %c0_i32_0 = arith.constant 0 : i32
    %c0_i32_1 = arith.constant 0 : i32
    return %c0_i32, %arg0, %c0_i32_0 : i32, i32, i32
  }
  func.func @transform_1(%arg0: i32) -> (i32, i32) {
    %c0_i32 = arith.constant 0 : i32
    %c0_i32_0 = arith.constant 0 : i32
    %c0_i32_1 = arith.constant 0 : i32
    return %c0_i32, %c0_i32_0 : i32, i32
  }
  func.func @transform_2(%arg0: i32) -> (i32, i32) {
    %c0_i32 = arith.constant 0 : i32
    %c0_i32_0 = arith.constant 0 : i32
    %c0_i32_1 = arith.constant 0 : i32
    return %c0_i32, %c0_i32_0 : i32, i32
  }
  func.func @transform_3(%arg0: i32) -> (i32, i32) {
    %c0_i32 = arith.constant 0 : i32
    %c0_i32_0 = arith.constant 0 : i32
    %c0_i32_1 = arith.constant 0 : i32
    return %c0_i32, %c0_i32_0 : i32, i32
  }
  func.func @transform_4(%arg0: i32) -> i32 {
    %c0_i32 = arith.constant 0 : i32
    %c0_i32_0 = arith.constant 0 : i32
    return %c0_i32 : i32
  }
  func.func @transform_5(%arg0: i32) -> (i32, i32) {
    %c0_i32 = arith.constant 0 : i32
    %c0_i32_0 = arith.constant 0 : i32
    return %arg0, %c0_i32 : i32, i32
  }
  func.func @transform_6(%arg0: i32) -> (i32, i32) {
    %c0_i32 = arith.constant 0 : i32
    %c0_i32_0 = arith.constant 0 : i32
    return %arg0, %c0_i32 : i32, i32
  }
}

module attributes {stable_mosaic.version = 14 : i64} {
  func.func @_tc2_body(%arg0: memref<10000x5xf32, #tpu.memory_space<vmem>>, %arg1: memref<10000x1xf32, #tpu.memory_space<vmem>>, %arg2: memref<1x5xf32, #tpu.memory_space<vmem>>, %arg3: memref<5x10100xf32, #tpu.memory_space<vmem>>, %arg4: memref<1x10100xf32, #tpu.memory_space<vmem>>, %arg5: memref<100x10100xf32, #tpu.memory_space<vmem>>) attributes {dimension_semantics = [], scalar_prefetch = 0 : i64, scratch_operands = 0 : i64, tpu.core_type = #tpu.core_type<tc>} {
    %iota3A = tpu.iota {dimensions = array<i32: 0>} : vector<100x10000xi32>
    %iota3A_0 = tpu.iota {dimensions = array<i32: 1>} : vector<100x10000xi32>
    %jit3A = arith.constant 100 : i32
    %div3A = vector.broadcast %jit3A : i32 to vector<100x10000xi32>
    %div3A_1 = arith.divsi %iota3A_0, %div3A : vector<100x10000xi32>
    %sign3A = arith.constant 0 : i32
    %sign3A_2 = vector.broadcast %sign3A : i32 to vector<100x10000xi32>
    %sign3A_3 = arith.cmpi sgt, %iota3A_0, %sign3A_2 : vector<100x10000xi32>
    %sign3A_4 = arith.extui %sign3A_3 : vector<100x10000xi1> to vector<100x10000xi32>
    %sign3A_5 = arith.constant 0 : i32
    %sign3A_6 = vector.broadcast %sign3A_5 : i32 to vector<100x10000xi32>
    %sign3A_7 = arith.cmpi slt, %iota3A_0, %sign3A_6 : vector<100x10000xi32>
    %sign3A_8 = arith.extui %sign3A_7 : vector<100x10000xi1> to vector<100x10000xi32>
    %sign3A_9 = arith.subi %sign3A_4, %sign3A_8 : vector<100x10000xi32>
    %sign3A_10 = arith.constant 0 : i32
    %sign3A_11 = arith.cmpi sgt, %jit3A, %sign3A_10 : i32
    %sign3A_12 = arith.extui %sign3A_11 : i1 to i32
    %sign3A_13 = arith.constant 0 : i32
    %sign3A_14 = arith.cmpi slt, %jit3A, %sign3A_13 : i32
    %sign3A_15 = arith.extui %sign3A_14 : i1 to i32
    %sign3A_16 = arith.subi %sign3A_12, %sign3A_15 : i32
    %ne3A = vector.broadcast %sign3A_16 : i32 to vector<100x10000xi32>
    %ne3A_17 = arith.cmpi ne, %sign3A_9, %ne3A : vector<100x10000xi32>
    %rem3A = vector.broadcast %jit3A : i32 to vector<100x10000xi32>
    %rem3A_18 = arith.remsi %iota3A_0, %rem3A : vector<100x10000xi32>
    %ne3A_19 = arith.constant 0 : i32
    %ne3A_20 = vector.broadcast %ne3A_19 : i32 to vector<100x10000xi32>
    %ne3A_21 = arith.cmpi ne, %rem3A_18, %ne3A_20 : vector<100x10000xi32>
    %and3A = arith.andi %ne3A_17, %ne3A_21 : vector<100x10000xi1>
    %sub3A = arith.constant 1 : i32
    %sub3A_22 = vector.broadcast %sub3A : i32 to vector<100x10000xi32>
    %sub3A_23 = arith.subi %div3A_1, %sub3A_22 : vector<100x10000xi32>
    %select_n3A = arith.select %and3A, %sub3A_23, %div3A_1 : vector<100x10000xi1>, vector<100x10000xi32>
    %eq3A = arith.cmpi eq, %select_n3A, %iota3A : vector<100x10000xi32>
    %jit3A_24 = arith.constant 1.000000e+00 : f32
    %jit3A_25 = arith.constant 0.000000e+00 : f32
    %broadcast_in_dim3A = vector.broadcast %jit3A_24 : f32 to vector<100x10000xf32>
    %broadcast_in_dim3A_26 = vector.broadcast %jit3A_25 : f32 to vector<100x10000xf32>
    %select_n3A_27 = arith.select %eq3A, %broadcast_in_dim3A, %broadcast_in_dim3A_26 : vector<100x10000xi1>, vector<100x10000xf32>
    %get3A = arith.constant 0 : index
    %get3A_28 = arith.constant 0 : index
    %get3A_29 = vector.load %arg0[%get3A, %get3A_28] : memref<10000x5xf32, #tpu.memory_space<vmem>>, vector<10000x5xf32>
    %dot_general3A = arith.constant dense<0.000000e+00> : vector<100x5xf32>
    %dot_general3A_30 = tpu.matmul %select_n3A_27, %get3A_29, %dot_general3A {dimension_numbers = #tpu.dot_dimension_numbers<[1], [0], [0], [1], [0, 0, 1, 1], [], []>, transpose_lhs_hint = false} : vector<100x10000xf32>, vector<10000x5xf32>, vector<100x5xf32> -> vector<100x5xf32>
    %get3A_31 = arith.constant 0 : index
    %get3A_32 = arith.constant 0 : index
    %get3A_33 = vector.load %arg2[%get3A_31, %get3A_32] : memref<1x5xf32, #tpu.memory_space<vmem>>, vector<1x5xf32>
    %add3A = vector.broadcast %get3A_33 : vector<1x5xf32> to vector<100x5xf32>
    %add3A_34 = arith.addf %dot_general3A_30, %add3A : vector<100x5xf32>
    %max3A = arith.constant 0.000000e+00 : f32
    %max3A_35 = vector.broadcast %max3A : f32 to vector<100x5xf32>
    %max3A_36 = arith.maximumf %add3A_34, %max3A_35 : vector<100x5xf32>
    %iota3A_37 = tpu.iota {dimensions = array<i32: 1>} : vector<10000x100xi32>
    %iota3A_38 = tpu.iota {dimensions = array<i32: 0>} : vector<10000x100xi32>
    %jit3A_39 = arith.constant 100 : i32
    %eq3A_40 = arith.constant 0 : i32
    %eq3A_41 = arith.cmpi eq, %jit3A_39, %eq3A_40 : i32
    %jit3A_42 = arith.constant 1 : i32
    %select_n3A_43 = arith.select %eq3A_41, %jit3A_42, %jit3A_39 : i32
    %rem3A_44 = vector.broadcast %select_n3A_43 : i32 to vector<10000x100xi32>
    %rem3A_45 = arith.remsi %iota3A_38, %rem3A_44 : vector<10000x100xi32>
    %ne3A_46 = arith.constant 0 : i32
    %ne3A_47 = vector.broadcast %ne3A_46 : i32 to vector<10000x100xi32>
    %ne3A_48 = arith.cmpi ne, %rem3A_45, %ne3A_47 : vector<10000x100xi32>
    %lt3A = arith.constant 0 : i32
    %lt3A_49 = vector.broadcast %lt3A : i32 to vector<10000x100xi32>
    %lt3A_50 = arith.cmpi slt, %rem3A_45, %lt3A_49 : vector<10000x100xi32>
    %lt3A_51 = arith.constant 0 : i32
    %lt3A_52 = arith.cmpi slt, %select_n3A_43, %lt3A_51 : i32
    %ne3A_53 = vector.broadcast %lt3A_52 : i1 to vector<10000x100xi1>
    %ne3A_54 = vector.broadcast %ne3A_53 : vector<10000x100xi1> to vector<10000x100xi1>
    %ne3A_55 = arith.xori %lt3A_50, %ne3A_54 : vector<10000x100xi1>
    %and3A_56 = arith.andi %ne3A_55, %ne3A_48 : vector<10000x100xi1>
    %add3A_57 = vector.broadcast %select_n3A_43 : i32 to vector<10000x100xi32>
    %add3A_58 = arith.addi %rem3A_45, %add3A_57 : vector<10000x100xi32>
    %select_n3A_59 = arith.select %and3A_56, %add3A_58, %rem3A_45 : vector<10000x100xi1>, vector<10000x100xi32>
    %eq3A_60 = arith.cmpi eq, %iota3A_37, %select_n3A_59 : vector<10000x100xi32>
    %get3A_61 = arith.constant 0 : index
    %get3A_62 = arith.constant 0 : index
    %get3A_63 = vector.load %arg1[%get3A_61, %get3A_62] : memref<10000x1xf32, #tpu.memory_space<vmem>>, vector<10000x1xf32>
    %jit3A_64 = arith.constant 0.000000e+00 : f32
    %broadcast_in_dim3A_65 = vector.shape_cast %get3A_63 : vector<10000x1xf32> to vector<10000x1xf32>
    %broadcast_in_dim3A_66 = vector.broadcast %broadcast_in_dim3A_65 : vector<10000x1xf32> to vector<10000x100xf32>
    %broadcast_in_dim3A_67 = vector.broadcast %jit3A_64 : f32 to vector<10000x100xf32>
    %select_n3A_68 = arith.select %eq3A_60, %broadcast_in_dim3A_66, %broadcast_in_dim3A_67 : vector<10000x100xi1>, vector<10000x100xf32>
    %dot_general3A_69 = arith.constant dense<0.000000e+00> : vector<100x100xf32>
    %dot_general3A_70 = tpu.matmul %select_n3A_27, %select_n3A_68, %dot_general3A_69 {dimension_numbers = #tpu.dot_dimension_numbers<[1], [0], [0], [1], [0, 0, 1, 1], [], []>, transpose_lhs_hint = false} : vector<100x10000xf32>, vector<10000x100xf32>, vector<100x100xf32> -> vector<100x100xf32>
    %reduce_max3A = arith.constant dense<0xFF800000> : vector<100xf32>
    %reduce_max3A_71 = vector.multi_reduction <maximumf>, %dot_general3A_70, %reduce_max3A [1] : vector<100x100xf32> to vector<100xf32>
    %broadcast_in_dim3A_72 = vector.shape_cast %reduce_max3A_71 : vector<100xf32> to vector<100x1xf32>
    %sub3A_73 = vector.broadcast %broadcast_in_dim3A_72 : vector<100x1xf32> to vector<100x100xf32>
    %sub3A_74 = arith.subf %dot_general3A_70, %sub3A_73 : vector<100x100xf32>
    %exp3A = math.exp %sub3A_74 : vector<100x100xf32>
    %reduce_sum3A = arith.constant dense<0.000000e+00> : vector<100xf32>
    %reduce_sum3A_75 = vector.multi_reduction <add>, %exp3A, %reduce_sum3A [1] : vector<100x100xf32> to vector<100xf32>
    %broadcast_in_dim3A_76 = vector.shape_cast %reduce_sum3A_75 : vector<100xf32> to vector<100x1xf32>
    %div3A_77 = vector.broadcast %broadcast_in_dim3A_76 : vector<100x1xf32> to vector<100x100xf32>
    %div3A_78 = arith.divf %exp3A, %div3A_77 : vector<100x100xf32>
    %get3A_79 = arith.constant 0 : index
    %get3A_80 = arith.constant 0 : index
    %get3A_81 = vector.load %arg3[%get3A_79, %get3A_80] : memref<5x10100xf32, #tpu.memory_space<vmem>>, vector<5x10100xf32>
    %dot_general3A_82 = arith.constant dense<0.000000e+00> : vector<100x10100xf32>
    %dot_general3A_83 = tpu.matmul %max3A_36, %get3A_81, %dot_general3A_82 {dimension_numbers = #tpu.dot_dimension_numbers<[1], [0], [0], [1], [0, 0, 1, 1], [], []>, transpose_lhs_hint = false} : vector<100x5xf32>, vector<5x10100xf32>, vector<100x10100xf32> -> vector<100x10100xf32>
    %get3A_84 = arith.constant 0 : index
    %get3A_85 = arith.constant 0 : index
    %get3A_86 = vector.load %arg4[%get3A_84, %get3A_85] : memref<1x10100xf32, #tpu.memory_space<vmem>>, vector<1x10100xf32>
    %add3A_87 = vector.broadcast %get3A_86 : vector<1x10100xf32> to vector<100x10100xf32>
    %add3A_88 = arith.addf %dot_general3A_83, %add3A_87 : vector<100x10100xf32>
    %swap3A = arith.constant 0 : index
    %swap3A_89 = arith.constant 0 : index
    %swap3A_90 = vector.load %arg5[%swap3A, %swap3A_89] : memref<100x10100xf32, #tpu.memory_space<vmem>>, vector<100x10100xf32>
    tpu.vector_store %arg5[%swap3A, %swap3A_89], %add3A_88 {strides = array<i32>} : memref<100x10100xf32, #tpu.memory_space<vmem>>, vector<100x10100xf32>,
    %swap3A_91 = arith.constant 0 : index
    %swap3A_92 = arith.constant 0 : index
    %swap3A_93 = vector.load %arg5[%swap3A_91, %swap3A_92] : memref<100x10100xf32, #tpu.memory_space<vmem>>, vector<100x100xf32>
    tpu.vector_store %arg5[%swap3A_91, %swap3A_92], %div3A_78 {strides = array<i32>} : memref<100x10100xf32, #tpu.memory_space<vmem>>, vector<100x100xf32>,
    return
  }
}

</mosaic_0001>

<sc_bundles>
// kernel: kernel.6.cloned.1.call-start
scs
__scs_entry_jumppad:
0x0: {  	(pc) =	sbr.rel $0x88, $3  }
0x1: {  	(tag) =	ssettag $0x0;
	lr =	simm.s32 $0x1  }
0x2: {  	[smem:$0x3F98] =	sst lr;
	_ =	strace $0xD0000000  }
0x3: {  	_ = 	snop  }
0x4: {  	_ = 	snop  }
0x5: {  	_ = 	snop  }
0x6: {  	_ = 	snop  }
0x7: {  	_ = 	snop  }
__scs_overlays_trampoline_lowered:
0x8: {  	[smem:$0x3FA7] =	sst s0  }
0x9: {  	[smem:$0x3FA8] =	sst s1  }
0xa: {  	[smem:$0x3FA9] =	sst s2  }
0xb: {  	[smem:$0x3FAA] =	sst s3  }
0xc: {  	[smem:$0x3FAB] =	sst s4  }
0xd: {  	[smem:$0x3FAC] =	sst s5  }
0xe: {  	[smem:$0x3FAD] =	sst s6  }
0xf: {  	[smem:$0x3FAE] =	sst s7  }
0x10: {  	[smem:$0x3FAF] =	sst s8  }
0x11: {  	[smem:$0x3FB0] =	sst s9;
	s0 =	simm.s32 @!p0 $0x0  }
0x12: {  	s1 =	sld [smem:$0x3F96];
	s0 =	simm.s32 @p0 $0x1  }
0x13: {  	[smem:$0x3FB1] =	sst s0;
	s0 =	simm.s32 @!p1 $0x0  }
0x14: {  	s2 =	sld [smem:$0x3F95];
	s0 =	simm.s32 @p1 $0x1  }
0x15: {  	[smem:$0x3FB2] =	sst s0;
	s0 =	simm.s32 @!p2 $0x0  }
0x16: {  	s3 =	sld [smem:$0x3FDB];
	s0 =	simm.s32 @p2 $0x1  }
0x17: {  	s4 =	simm.s32 $0x1BF5;
	[smem:$0x3FB4] =	sst s0  }
0x18: {  	s0 =	sld [smem:$0x3F97];
	_ =	swait.ge [sflag:s4], $0x0  }
0x19: {  	s7 =	sld [smem:$0x3F98]  }
0x1a: {  	s8 =	sadd.s32 $0xFFFFE003, lr  }
0x1b: {  	s9 =	sadd.s32 $0xFFFFFEF7, lr;
	s5 =	simm.s32 $0xFFFFFFFF;
	p2 =	slt.u32 s8, $0xFFFFF086  }
0x1c: {  	p1 =	slt.u32 s9, $0xF7A;
	s5 =	simm.s32 @!p2 $0x0  }
0x1d: {  	s5 =	simm.s32 @p1 $0x1;
	p0 =	seq.s32 s7, s2  }
0x1e: {  	s7 =	smul.u32 @!p0 $0xF7A, s2;
	p2 =	seq.s32 @!p0 s5, $0x0  }
0x1f: {  	s9 =	smul.u32 $0xF7A, s1;
	s8 =	simm.s32 @!p0 $0x1BF5;
	p2 =	por !p2, p0  }
0x20: {  	[sflag:s8] =	ssyncset.s32 @!p0 $0xFFFFF086;
	s6 =	sadd.s32 @!p0 s3, s7;
	s7 =	simm.s32 @!p0 $0x108  }
0x21: {  	s3 =	sadd.s32 s3, s9;
	s6 =	sadd.s32 @!p0 $0x88, s6;
	s7 =	simm.s32 @p2 $0x1082  }
0x22: {  	[simem:s7], [sflag:s8] =	dma.local @!p0 [hbm:s6], $0xF7A  }
0x23: {  	s9 =	sor.u32 $0xD0000000, s2;
	s6 =	simm.s32 $0x108;
	_ =	swait.ge @!p0 [sflag:s8], $0x0  }
0x24: {  	s3 =	sadd.s32 $0x88, s3;
	s6 =	simm.s32 @!p1 $0x1082;
	[sflag:s4] =	ssyncset.s32 $0xFFFFF086  }
0x25: {  	[simem:s6], [sflag:s4] =	dma.local [hbm:s3], $0xF7A  }
0x26: {  	[smem:$0x3F98] =	sst s1;
	(tag) =	ssettag s2;
	_ =	strace s9  }
0x27: {  	s1 =	sld [smem:$0x3FA8]  }
0x28: {  	s2 =	sld [smem:$0x3FA9]  }
0x29: {  	s4 =	sld [smem:$0x3FAB]  }
0x2a: {  	p0 =	seq.s32 s5, $0x0;
	s5 =	sld [smem:$0x3FAC]  }
0x2b: {  	s6 =	sld [smem:$0x3FAD]  }
0x2c: {  	s7 =	sld [smem:$0x3FAE]  }
0x2d: {  	s3 =	simm.s32 $0x108;
	s8 =	sld [smem:$0x3FAF]  }
0x2e: {  	s3 =	simm.s32 @!p0 $0x1082;
	s9 =	sld [smem:$0x3FB0]  }
0x2f: {  	lr =	sadd.s32 s0, s3;
	s0 =	sld [smem:$0x3FA7]  }
0x30: {  	s3 =	sld [smem:$0x3FAA]  }
0x31: {  	[smem:$0x3FB3] =	sst s10  }
0x32: {  	s10 =	sld [smem:$0x3FB1];
	_ =	sdelay $0x3  }
0x33: {  	p0 =	seq.s32 s10, $0x1;
	s10 =	sld [smem:$0x3FB3];
	_ =	sdelay $0x3  }
0x34: {  	[smem:$0x3FB3] =	sst s10  }
0x35: {  	s10 =	sld [smem:$0x3FB2];
	_ =	sdelay $0x3  }
0x36: {  	p1 =	seq.s32 s10, $0x1;
	s10 =	sld [smem:$0x3FB3];
	_ =	sdelay $0x3  }
0x37: {  	[smem:$0x3FB3] =	sst s10  }
0x38: {  	s10 =	sld [smem:$0x3FB4]  }
0x39: {  	_ = 	snop;
	(pc) =	sbr.ind lr, $3  }
0x3a: {  	_ = 	snop  }
0x3b: {  	_ = 	snop  }
0x3c: {  	p2 =	seq.s32 s10, $0x1;
	s10 =	sld [smem:$0x3FB3]  }
0x3d: {  	_ =	shalt  }
0x3e: {  	_ =	shalt  }
0x3f: {  	_ =	shalt  }
0x40: {  	_ =	shalt  }
0x41: {  	_ =	shalt  }
0x42: {  	_ =	shalt  }
0x43: {  	_ =	shalt  }
0x44: {  	_ =	shalt  }
0x45: {  	_ =	shalt  }
0x46: {  	_ =	shalt  }
0x47: {  	_ =	shalt  }
0x48: {  	_ =	shalt  }
0x49: {  	_ =	shalt  }
0x4a: {  	_ =	shalt  }
0x4b: {  	_ =	shalt  }
0x4c: {  	_ =	shalt  }
0x4d: {  	_ =	shalt  }
0x4e: {  	_ =	shalt  }
0x4f: {  	_ =	shalt  }
0x50: {  	_ =	shalt  }
0x51: {  	_ =	shalt  }
0x52: {  	_ =	shalt  }
0x53: {  	_ =	shalt  }
0x54: {  	_ =	shalt  }
0x55: {  	_ =	shalt  }
0x56: {  	_ =	shalt  }
0x57: {  	_ =	shalt  }
0x58: {  	_ =	shalt  }
0x59: {  	_ =	shalt  }
0x5a: {  	_ =	shalt  }
0x5b: {  	_ =	shalt  }
0x5c: {  	_ =	shalt  }
0x5d: {  	_ =	shalt  }
0x5e: {  	_ =	shalt  }
0x5f: {  	_ =	shalt  }
0x60: {  	_ =	shalt  }
0x61: {  	_ =	shalt  }
0x62: {  	_ =	shalt  }
0x63: {  	_ =	shalt  }
0x64: {  	_ =	shalt  }
0x65: {  	_ =	shalt  }
0x66: {  	_ =	shalt  }
0x67: {  	_ =	shalt  }
0x68: {  	_ =	shalt  }
0x69: {  	_ =	shalt  }
0x6a: {  	_ =	shalt  }
0x6b: {  	_ =	shalt  }
0x6c: {  	_ =	shalt  }
0x6d: {  	_ =	shalt  }
0x6e: {  	_ =	shalt  }
0x6f: {  	_ =	shalt  }
0x70: {  	_ =	shalt  }
0x71: {  	_ =	shalt  }
0x72: {  	_ =	shalt  }
0x73: {  	_ =	shalt  }
0x74: {  	_ =	shalt  }
0x75: {  	_ =	shalt  }
0x76: {  	_ =	shalt  }
0x77: {  	_ =	shalt  }
0x78: {  	_ =	shalt  }
0x79: {  	_ =	shalt  }
0x7a: {  	_ =	shalt  }
0x7b: {  	_ =	shalt  }
0x7c: {  	_ =	shalt  }
0x7d: {  	_ =	shalt  }
0x7e: {  	_ =	shalt  }
0x7f: {  	_ =	shalt  }
0x80: {  	_ =	shalt  }
0x81: {  	_ =	shalt  }
0x82: {  	_ =	shalt  }
0x83: {  	_ =	shalt  }
0x84: {  	_ =	shalt  }
0x85: {  	_ =	shalt  }
0x86: {  	_ =	shalt  }
0x87: {  	_ =	shalt  }
.Lfunc_end0:
.L_simem_size_0:
called_computation_lowered:
.L_overlay_start_0:
0x88: {  	s2 =	sld [smem:$0x3FD9]  }
0x89: {  	s3 =	sld [smem:$0x3FFE];
	_ =	sdelay $0x1  }
0x8a: {  	s1 =	srdreg.scid  }
0x8b: {  	s0 =	sand.u32 $0x1, s1  }
0x8c: {  	s17 =	sshll.u32 s0, $0xA;
	s2 =	sadd.s32 s3, s2  }
0x8d: {  	s2 =	sadd.s32 s2, s17  }
0x8e: {  	[smem:$0x3FBF] =	sst s2  }
0x8f: {  	_ = 	snop  }
0x90: {  	s2 =	sld [smem:$0x3FC9]  }
0x91: {  	s18 =	sld [smem:$0x3FD0];
	(tm) =	ssettm $0x1  }
0x92: {  	s4 =	sld [smem:$0x3FFB];
	_ =	sdelay $0x3  }
0x93: {  	_ =	strace s4  }
0x94: {  	s4 =	sld [smem:$0x3FFC];
	_ =	sdelay $0x3  }
0x95: {  	_ =	strace s4  }
0x96: {  	s4 =	sld [smem:$0x3FFD];
	_ =	sdelay $0x3  }
0x97: {  	_ =	strace s4  }
0x98: {  	_ =	strace $0x8FFFFFFF  }
0x99: {  	s19 =	sld [smem:$0x3FDB];
	_ =	sdelay $0x1  }
0x9a: {  	s5 =	simm.s32 $_scs_section_size  }
0x9b: {  	s6 =	simm.s32 $_size__tile_overlayer_lowered;
	s7 =	simm.s32 $_tile_overlayer_lowered  }
0x9c: {  	s22 =	simm.s32 $0x1BFF;
	s21 =	sshll.u32 s7, $0x1;
	s4 =	sadd.s32 s5, s19  }
0x9d: {  	s8 =	simm.s32 $0x0;
	s20 =	sshll.u32 s6, $0x1;
	s6 =	sadd.s32 s21, s4  }
0x9e: {  	[timem:s8], [sflag:s22] =	dma.local [hbm:s6], s20  }
0x9f: {  	_ =	swait.ge [sflag:s22], s20  }
0xa0: {  	s5 =	ssub.s32 $0x0, s20;
	[sflag:s22] =	ssyncset.done $0x0  }
0xa1: {  	[sflag:s22] =	ssyncadd.s32 s5;
	_ =	sdelay $0x1  }
0xa2: {  	s23 =	simm.s32 $0x1B8B  }
0xa3: {  	_ =	swait.ge [sflag:s23], $0x1  }
0xa4: {  	[sflag:s23] =	ssyncset.done $0x0  }
0xa5: {  	s25 =	simm.s32 $0x1B8E;
	s24 =	sld [smem:$0x3FFE];
	[sflag:s23] =	ssyncadd.s32 $0xFFFFFFFF  }
0xa6: {  	s26 =	simm.s32 $execute0_lowered;
	[smem:$0x3FD2] =	sst s25  }
0xa7: {  	s6 =	sshll.u32 s26, $0x1;
	_ =	strace $0x80000046;
	[dreg:$0x1] =	wrdreg $0xFFFFFFFF  }
0xa8: {  	s28 =	simm.s32 $_size_execute0_lowered;
	s4 =	sadd.s32 s4, s6;
	[dreg:$0x0] =	wrdreg $0x0  }
0xa9: {  	s6 =	sshll.u32 s28, $0x1;
	[dreg:$0x2] =	wrdreg s4  }
0xaa: {  	[dreg:$0x3] =	wrdreg s6  }
0xab: {  	[dreg:$0x4] =	wrdreg $0xC0  }
0xac: {  	_ =	task [dreg:s8], $0x5FFFF  }
0xad: {  	[dreg:$0x1] =	wrdreg $0xFFFFFFFF  }
0xae: {  	[dreg:$0x0] =	wrdreg $0x60  }
0xaf: {  	[dreg:$0x2] =	wrdreg s2  }
0xb0: {  	[dreg:$0x3] =	wrdreg s24  }
0xb1: {  	[dreg:$0x4] =	wrdreg s18  }
0xb2: {  	[dreg:$0x5] =	wrdreg $0xC7000  }
0xb3: {  	[dreg:$0x6] =	wrdreg $0x9  }
0xb4: {  	_ =	task.clear_ibuf [dreg:s8], $0x7FFFF;
	_ =	strace $0x90000046  }
0xb5: {  	s29 =	simm.s32 $0x9;
	_ =	strace $0x80000048  }
0xb6: {  	_ =	swait.ge [sflag:s29], $0x1  }
0xb7: {  	[sflag:s29] =	ssyncadd.s32 $0xFFFFFFFF  }
0xb8: {  	_ =	strace $0x90000048  }
0xb9: {  	_ =	sfence  }
0xba: {  	s30 =	sld [smem:$0x0];
	_ =	sdelay $0x2  }
0xbb: {  	s31 =	sshll.u32 s1, $0xD;
	s1 =	sshrl.u32 s1, $0x2  }
0xbc: {  	s3 =	sand.u32 $0x4000, s31;
	s1 =	sadd.s32 s1, s30  }
0xbd: {  	s0 =	sor.u32 s3, s0;
	s1 =	sshll.u32 s1, $0x11  }
0xbe: {  	s0 =	sor.u32 s1, s0  }
0xbf: {  	s0 =	sadd.s32 $0x8F2B, s0  }
0xc0: {  	[sflag:s0] =	ssyncadd.remote.s32 $0x1  }
0xc1: {  	_ =	sfence.sel $0xFFFF  }
0xc2: {  	[dreg:$0x0] =	wrdreg $0xFFFFFFFF;
	(pc) =	sbr.abs _section_cstart, $3  }
0xc3: {  	[dreg:$0x1] =	wrdreg $0xFFFFFFFF  }
0xc4: {  	_ =	task.clear_ibuf [dreg:s8], $0x2FFFF;
	_ =	strace $0x9FFFFFFF  }
0xc5: {  	(tm) =	ssettm $0x7FFFFFFF  }
tec
execute0_lowered:
.L_overlay_start_1:
0x0: {  	(tag) =	ssettag $0x1  }
0x1: {  	s1 =	rddreg [dreg:$0x0]  }
0x2: {  	s0 =	rddreg [dreg:$0x1]  }
0x3: {  	s3 =	rddreg [dreg:$0x2]  }
0x4: {  	s2 =	rddreg [dreg:$0x3]  }
0x5: {  	s4 =	srdreg.scid;
	s18 =	stileid.u32  }
0x6: {  	s28 =	simm.s32 $0x8700;
	s29 =	simm.s32 $0x1;
	s30 =	simm.s32 $0x2  }
0x7: {  	s31 =	simm.s32 $0x1900;
	s7 =	sand.u32 $0x1, s4;
	s15 =	smul.u32 $0x19000, s18  }
0x8: {  	s4 =	simm.s32 $0x0;
	s16 =	sor.u32 $0x10, s18;
	s24 =	smul.u32 $0x6400, s18  }
0x9: {  	s5 =	sshll.u32 s7, $0x4;
	s8 =	ssub.s32 $0x2, s7;
	s7 =	smul.u32 $0x138800, s7  }
0xa: {  	s11 =	sadd.s32 $0x1E00, s0;
	s23 =	sshll.u32 s18, $0x4;
	s17 =	smul.u32 $0x19000, s16  }
0xb: {  	s25 =	sor.u32 $0x20, s18;
	[smem:$0x7FF] =	sst s4;
	s26 =	smul.u32 $0x6400, s16  }
0xc: {  	s19 =	smul.u32 $0x6400, s25;
	s9 =	sor.u32 s18, s5;
	_ =	strace $0x80000047  }
0xd: {  	s5 =	sadd.s32 $0xBC00, s0;
	s10 =	sshrl.u32 s8, $0x1;
	s0 =	sadd.s32 $0xCA00, s0  }
0xe: {  	s18 =	sor.u32 $0x30, s18;
	s15 =	sshrl.u32 s15, $0x2;
	s6 =	smul.u32 $0x2700, s9  }
0xf: {  	s12 =	smul.u32 $0x4E0, s9;
	s14 =	ssub.s32 s8, s10;
	s15 =	sadd.s32 s15, s2  }
0x10: {  	p0 =	sgt.u32 s18, $0x31;
	p1 =	sgt.u32 s9, $0x3;
	s16 =	smax.u32 s14, $0x1  }
0x11: {  	s14 =	sadd.s32 s7, s19;
	[dreg:$0xb] =	wrdreg s15;
	s13 =	sshrl.u32 s6, $0x3  }
0x12: {  	s6 =	sadd.s32 s3, s12;
	s21 =	sadd.s32 s11, s12;
	[dreg:$0xa] =	wrdreg s16  }
0x13: {  	s20 =	sadd.s32 $0x1A0, s13;
	[dreg:$0x5] =	wrdreg s21;
	s22 =	sadd.s32 $0x340, s13  }
0x14: {  	s13 =	sor.u32 $0x9C00, s23;
	s21 =	smul.u32 $0x6400, s18;
	s10 =	sadd.s32 s11, s20  }
0x15: {  	s8 =	sadd.s32 s3, s20;
	s12 =	sadd.s32 s11, s22;
	[dreg:$0x6] =	wrdreg s10  }
0x16: {  	s11 =	sadd.s32 s11, s13;
	s20 =	sshrl.u32 s17, $0x2;
	[dreg:$0x7] =	wrdreg s12  }
0x17: {  	s10 =	sadd.s32 s3, s22;
	[dreg:$0x9] =	wrdreg s11;
	s11 =	smul.u32 $0x19000, s25  }
0x18: {  	s3 =	sadd.s32 s3, s13;
	s12 =	sadd.s32 s7, s26;
	s22 =	smul.u32 $0x19000, s18  }
0x19: {  	s23 =	sadd.s32 s20, s2;
	s26 =	sshrl.u32 s14, $0x3;
	[dreg:$0x8] =	wrdreg s3  }
0x1a: {  	s3 =	sadd.s32 s7, s24;
	s7 =	sadd.s32 s7, s21;
	[dreg:$0xc] =	wrdreg s23  }
0x1b: {  	s25 =	sshrl.u32 s12, $0x3;
	s21 =	sadd.s32 s0, s26;
	s23 =	simm.s32 $0x3  }
0x1c: {  	s26 =	simm.s32 $0x80;
	s11 =	sshrl.u32 s11, $0x2;
	s24 =	sshrl.u32 s22, $0x2  }
0x1d: {  	s3 =	sshrl.u32 s3, $0x3;
	s20 =	sadd.s32 s0, s25;
	s7 =	sshrl.u32 s7, $0x3  }
0x1e: {  	s25 =	simm.s32 $0x4700;
	s11 =	sadd.s32 s11, s2;
	s3 =	sadd.s32 s0, s3  }
0x1f: {  	s22 =	sadd.s32 s0, s7;
	s0 =	simm.s32 $0x3300;
	[dreg:$0xd] =	wrdreg s11  }
0x20: {  	s7 =	simm.s32 $0x0;
	s11 =	sadd.s32 s24, s2;
	[dreg:$0xf] =	wrdreg s3  }
0x21: {  	s24 =	simm.s32 $0x1A00;
	s3 =	simm.s32 $0x3380;
	[dreg:$0xe] =	wrdreg s11  }
.LBB2_1:
0x22: {  	s9 =	simm.s32 $0x10  }
0x23: {  	s13 =	sadd.s32 $0x0, s6;
	s11 =	simm.s32 $0x100;
	s12 =	simm.s32 $0x0  }
.LBB2_2:
0x24: {  	[tilespmem:s12], [sflag:$0x3] =	stream.linear.gather [hbm4b:s13+s4], $0x80, $0x38;
	[tilespmem:$0x1FF80] =	vst v63  }
0x25: {  	s13 =	smov.u32 s9;
	s12 =	smov.u32 s11;
	p2 =	sne.s32 s9, $0x190  }
.Ltmp0:
0x26: {  	s9 =	sadd.s32 $0x10, s9;
	(pc) =	sbr.rel @p2 .LBB2_2-.Ltmp0, $2  }
0x27: {  	_ =	sdelay $0x2  }
0x28: {  	s11 =	sadd.s32 $0x100, s11;
	s13 =	sadd.s32 s13, s6  }
0x29: {  	[tilespmem:s12], [sflag:$0x3] =	stream.linear.gather [hbm4b:s13+s4], $0x80, $0x38;
	[tilespmem:$0x1FF80] =	vst v63  }
0x2a: {  	_ =	swait.ge [sflag:s23], $0xD00  }
0x2b: {  	[sflag:s23] =	ssyncset.done $0x0  }
0x2c: {  	s9 =	simm.s32 $0x0;
	s11 =	rddreg [dreg:$0x5];
	[sflag:s23] =	ssyncadd.s32 $0xFFFFF300  }
0x2d: {  	[tilespmem:s24], [sflag:$0x3] =	stream.linear.gather [hbm4b:s11+s9], $0xD00, $0x38;
	[tilespmem:$0x1FF80] =	vst v63  }
0x2e: {  	s19 =	simm.s32 $0x0;
	_ =	swait.ge [sflag:s23], $0xD00  }
0x2f: {  	s9 =	sand.u32 $0x70, s9;
	s11 =	sand.u32 $0xF80, s19;
	[sflag:s23] =	ssyncset.done $0x0  }
0x30: {  	s9 =	sor.u32 s9, s11;
	[sflag:s23] =	ssyncadd.s32 $0xFFFFF300  }
0x31: {  	v0 =	vld [tilespmem:s9+$0x1A00];
	_ =	sdelay $0x1  }
0x32: {  	s12 =	simm.s32 $0x10;
	s11 =	simm.s32 $0x40  }
.LBB2_4:
0x33: {  	s13 =	sshrl.u32 s11, $0x2;
	p2 =	sne.s32 s11, $0x33C0;
	s11 =	sadd.s32 $0x40, s11  }
.Ltmp1:
0x34: {  	s14 =	sand.u32 $0x70, s12;
	s13 =	sand.u32 $0xF80, s13;
	(pc) =	sbr.rel @p2 .LBB2_4-.Ltmp1, $3  }
0x35: {  	[tilespmem:s9+$0x2700] =	vst v0;
	s9 =	sor.u32 s14, s13  }
0x36: {  	v0 =	vld [tilespmem:s9+$0x1A00];
	_ =	sdelay $0x1  }
0x37: {  	s12 =	sadd.s32 $0x10, s12  }
0x38: {  	s11 =	stileid.u32  }
0x39: {  	s19 =	rddreg [dreg:$0xb];
	s11 =	sshll.u32 s11, $0x6  }
0x3a: {  	[tilespmem:s9+$0x2700] =	vst v0;
	s9 =	sor.u32 $0x1C03, s11;
	s11 =	sshrl.u32 s19, $0x3  }
0x3b: {  	[spmem:s11], [sflag:s9] =	dma.local [hbm:s5], $0xC80  }
0x3c: {  	_ =	swait.ge [sflag:s23], $0xC80  }
0x3d: {  	[sflag:s23] =	ssyncset.done $0x0;
	s12 =	rddreg [dreg:$0xc]  }
0x3e: {  	[sflag:s23] =	ssyncadd.s32 $0xFFFFF380;
	s12 =	sshrl.u32 s12, $0x3  }
0x3f: {  	[spmem:s12], [sflag:s9] =	dma.local [hbm:s5], $0xC80  }
0x40: {  	_ =	swait.ge [sflag:s23], $0xC80  }
0x41: {  	[sflag:s23] =	ssyncset.done $0x0;
	s13 =	rddreg [dreg:$0xd]  }
0x42: {  	[sflag:s23] =	ssyncadd.s32 $0xFFFFF380;
	s13 =	sshrl.u32 s13, $0x3  }
0x43: {  	[spmem:s13], [sflag:s9] =	dma.local [hbm:s5], $0xC80  }
0x44: {  	_ =	swait.ge [sflag:s23], $0xC80  }
0x45: {  	[sflag:s23] =	ssyncset.done $0x0;
	s14 =	rddreg [dreg:$0xe]  }
0x46: {  	s15 =	simm.s32 @!p0 $0x3;
	[sflag:s23] =	ssyncadd.s32 $0xFFFFF380;
	s14 =	sshrl.u32 @!p0 s14, $0x3  }
0x47: {  	[spmem:s14], [sflag:s9] =	dma.local @!p0 [hbm:s5], $0xC80  }
0x48: {  	_ =	swait.ge @!p0 [sflag:s15], $0xC80  }
0x49: {  	[sflag:s15] =	ssyncset.done @!p0 $0x0  }
0x4a: {  	[sflag:s15] =	ssyncadd.s32 @!p0 $0xFFFFF380  }
0x4b: {  	s16 =	simm.s32 $0x0;
	s15 =	simm.s32 $0x80;
	[bflag:$0x0] =	sbarrier.arrive $0xFFFF  }
0x4c: {  	[tilespmem:s25], [sflag:$0x1] =	stream.indirect.gather [hbm4b:s1+s15], $0x80, s16, s15, $0xb8;
	[tilespmem:$0x1FF80] =	vst v63  }
0x4d: {  	s18 =	sadd.s32 $0x0, s8;
	s17 =	simm.s32 $0x180;
	s16 =	simm.s32 $0x10  }
.LBB2_6:
0x4e: {  	[tilespmem:s15], [sflag:$0x3] =	stream.linear.gather [hbm4b:s18+s4], $0x80, $0x38;
	[tilespmem:$0x1FF80] =	vst v63  }
0x4f: {  	s18 =	smov.u32 s16;
	s15 =	smov.u32 s17;
	p2 =	sne.s32 s16, $0x190  }
.Ltmp2:
0x50: {  	s16 =	sadd.s32 $0x10, s16;
	(pc) =	sbr.rel @p2 .LBB2_6-.Ltmp2, $2  }
0x51: {  	_ =	sdelay $0x2  }
0x52: {  	s17 =	sadd.s32 $0x100, s17;
	s18 =	sadd.s32 s18, s8  }
0x53: {  	[tilespmem:s15], [sflag:$0x3] =	stream.linear.gather [hbm4b:s18+s4], $0x80, $0x38;
	[tilespmem:$0x1FF80] =	vst v63  }
0x54: {  	_ =	swait.ge [sflag:s23], $0xD00  }
0x55: {  	[sflag:s23] =	ssyncset.done $0x0  }
0x56: {  	s18 =	simm.s32 $0x0;
	s16 =	rddreg [dreg:$0x6];
	[sflag:s23] =	ssyncadd.s32 $0xFFFFF300  }
0x57: {  	[tilespmem:s24], [sflag:$0x3] =	stream.linear.gather [hbm4b:s16+s18], $0xD00, $0x38;
	[tilespmem:$0x1FF80] =	vst v63  }
0x58: {  	s19 =	simm.s32 $0x0;
	_ =	swait.ge [sflag:s23], $0xD00  }
0x59: {  	s15 =	sand.u32 $0x70, s18;
	s16 =	sand.u32 $0xF80, s19;
	[sflag:s23] =	ssyncset.done $0x0  }
0x5a: {  	s15 =	sor.u32 s15, s16;
	[sflag:s23] =	ssyncadd.s32 $0xFFFFF300  }
0x5b: {  	v0 =	vld [tilespmem:s15+$0x1A00];
	_ =	sdelay $0x1  }
0x5c: {  	s17 =	simm.s32 $0x10;
	s16 =	simm.s32 $0x40  }
.LBB2_8:
0x5d: {  	s18 =	sshrl.u32 s16, $0x2;
	p2 =	sne.s32 s16, $0x33C0;
	s16 =	sadd.s32 $0x40, s16  }
.Ltmp3:
0x5e: {  	s19 =	sand.u32 $0x70, s17;
	s18 =	sand.u32 $0xF80, s18;
	(pc) =	sbr.rel @p2 .LBB2_8-.Ltmp3, $3  }
0x5f: {  	[tilespmem:s15+$0x3700] =	vst v0;
	s15 =	sor.u32 s19, s18  }
0x60: {  	v0 =	vld [tilespmem:s15+$0x1A00];
	_ =	sdelay $0x1  }
0x61: {  	s17 =	sadd.s32 $0x10, s17  }
0x62: {  	_ =	sdelay $0x1  }
0x63: {  	[tilespmem:s15+$0x3700] =	vst v0;
	s15 =	simm.s32 $0x100  }
0x64: {  	[tilespmem:s28], [sflag:$0x2] =	stream.indirect.gather [hbm4b:s1+s26], $0x80, s15, s26, $0xb8;
	[tilespmem:$0x1FF80] =	vst v63  }
0x65: {  	_ =	swait.ge [sflag:s29], $0x4000  }
0x66: {  	[sflag:s29] =	ssyncset.done $0x0  }
0x67: {  	s16 =	simm.s32 $0x2700;
	[sflag:s29] =	ssyncadd.s32 $0xFFFFC000  }
0x68: {  	[spmem:s2] =	stream.indirect.scatter.add.f32 [tilespmem:s25], [sflag:$0x3], $0x80, s16, s26, $0xb8;
	[tilespmem:$0x1FF80] =	vst v63  }
0x69: {  	_ =	swait.ge [sflag:s23], $0x4000  }
0x6a: {  	[sflag:s23] =	ssyncset.done $0x0  }
0x6b: {  	s18 =	simm.s32 $0x200;
	[sflag:s23] =	ssyncadd.s32 $0xFFFFC000  }
0x6c: {  	[tilespmem:s25], [sflag:$0x1] =	stream.indirect.gather [hbm4b:s1+s26], $0x80, s18, s26, $0xb8;
	[tilespmem:$0x1FF80] =	vst v63  }
0x6d: {  	_ =	swait.ge [sflag:s30], $0x4000  }
0x6e: {  	[sflag:s30] =	ssyncset.done $0x0  }
0x6f: {  	s19 =	simm.s32 $0x2780;
	[sflag:s30] =	ssyncadd.s32 $0xFFFFC000  }
0x70: {  	[spmem:s2] =	stream.indirect.scatter.add.f32 [tilespmem:s28], [sflag:$0x3], $0x80, s19, s26, $0xb8;
	[tilespmem:$0x1FF80] =	vst v63  }
0x71: {  	_ =	swait.ge [sflag:s23], $0x4000  }
0x72: {  	s16 =	simm.s32 $0x400;
	[sflag:s23] =	ssyncset.done $0x0  }
.LBB2_10:
0x73: {  	p2 =	sne.s32 s16, $0x2C00;
	[sflag:s23] =	ssyncadd.s32 $0xFFFFC000;
	s15 =	sadd.s32 $0x200, s15  }
0x74: {  	[tilespmem:s28], [sflag:$0x2] =	stream.indirect.gather [hbm4b:s1+s26], $0x80, s15, s26, $0xb8;
	[tilespmem:$0x1FF80] =	vst v63  }
0x75: {  	s17 =	smov.u32 s16;
	s16 =	sadd.s32 $0x400, s16;
	_ =	swait.ge [sflag:s29], $0x4000  }
0x76: {  	s17 =	sshra.s32 s17, $0x2;
	[sflag:s29] =	ssyncset.done $0x0  }
0x77: {  	s18 =	sadd.s32 $0x2700, s17;
	[sflag:s29] =	ssyncadd.s32 $0xFFFFC000  }
0x78: {  	[spmem:s2] =	stream.indirect.scatter.add.f32 [tilespmem:s25], [sflag:$0x3], $0x80, s18, s26, $0xb8;
	[tilespmem:$0x1FF80] =	vst v63  }
0x79: {  	_ =	swait.ge [sflag:s23], $0x4000  }
0x7a: {  	[sflag:s23] =	ssyncset.done $0x0  }
0x7b: {  	s18 =	sadd.s32 $0x100, s15;
	[sflag:s23] =	ssyncadd.s32 $0xFFFFC000  }
0x7c: {  	[tilespmem:s25], [sflag:$0x1] =	stream.indirect.gather [hbm4b:s1+s26], $0x80, s18, s26, $0xb8;
	[tilespmem:$0x1FF80] =	vst v63  }
0x7d: {  	_ =	swait.ge [sflag:s30], $0x4000  }
.Ltmp4:
0x7e: {  	[sflag:s30] =	ssyncset.done $0x0;
	(pc) =	sbr.rel @p2 .LBB2_10-.Ltmp4, $4  }
0x7f: {  	s17 =	sadd.s32 $0x2780, s17;
	[sflag:s30] =	ssyncadd.s32 $0xFFFFC000  }
0x80: {  	[spmem:s2] =	stream.indirect.scatter.add.f32 [tilespmem:s28], [sflag:$0x3], $0x80, s17, s26, $0xb8;
	[tilespmem:$0x1FF80] =	vst v63  }
0x81: {  	_ =	swait.ge [sflag:s23], $0x4000  }
0x82: {  	[sflag:s23] =	ssyncset.done $0x0  }
0x83: {  	[sflag:s23] =	ssyncadd.s32 $0xFFFFC000  }
0x84: {  	[tilespmem:s28], [sflag:$0x2] =	stream.indirect.gather [hbm4b:s1+s26], $0x80, s31, s26, $0xb8;
	[tilespmem:$0x1FF80] =	vst v63  }
0x85: {  	_ =	swait.ge [sflag:s29], $0x4000  }
0x86: {  	[sflag:s29] =	ssyncset.done $0x0  }
0x87: {  	[sflag:s29] =	ssyncadd.s32 $0xFFFFC000  }
0x88: {  	[spmem:s2] =	stream.indirect.scatter.add.f32 [tilespmem:s25], [sflag:$0x3], $0x80, s0, s26, $0xb8;
	[tilespmem:$0x1FF80] =	vst v63  }
0x89: {  	_ =	swait.ge [sflag:s23], $0x4000  }
0x8a: {  	[sflag:s23] =	ssyncset.done $0x0  }
0x8b: {  	[sflag:s23] =	ssyncadd.s32 $0xFFFFC000  }
0x8c: {  	_ =	swait.ge [sflag:s30], $0x4000  }
0x8d: {  	[sflag:s30] =	ssyncset.done $0x0  }
0x8e: {  	[sflag:s30] =	ssyncadd.s32 $0xFFFFC000  }
0x8f: {  	[spmem:s2] =	stream.indirect.scatter.add.f32 [tilespmem:s28], [sflag:$0x3], $0x80, s3, s26, $0xb8;
	[tilespmem:$0x1FF80] =	vst v63  }
0x90: {  	_ =	swait.ge [sflag:s23], $0x4000  }
0x91: {  	s15 =	simm.s32 $0x0;
	s16 =	simm.s32 $0x10;
	[sflag:s23] =	ssyncset.done $0x0  }
0x92: {  	s18 =	sadd.s32 $0x0, s10;
	s17 =	simm.s32 $0x100;
	[sflag:s23] =	ssyncadd.s32 $0xFFFFC000  }
0x93: {  	[tilespmem:s25], [sflag:$0x1] =	stream.indirect.gather [hbm4b:s1+s26], $0x80, s26, s26, $0xb8;
	[tilespmem:$0x1FF80] =	vst v63  }
.LBB2_12:
0x94: {  	[tilespmem:s15], [sflag:$0x3] =	stream.linear.gather [hbm4b:s18+s4], $0x80, $0x38;
	[tilespmem:$0x1FF80] =	vst v63  }
0x95: {  	s18 =	smov.u32 s16;
	s15 =	smov.u32 s17;
	p2 =	sne.s32 s16, $0x190  }
.Ltmp5:
0x96: {  	s16 =	sadd.s32 $0x10, s16;
	(pc) =	sbr.rel @p2 .LBB2_12-.Ltmp5, $2  }
0x97: {  	_ =	sdelay $0x2  }
0x98: {  	s17 =	sadd.s32 $0x100, s17;
	s18 =	sadd.s32 s18, s10  }
0x99: {  	[tilespmem:s15], [sflag:$0x3] =	stream.linear.gather [hbm4b:s18+s4], $0x80, $0x38;
	[tilespmem:$0x1FF80] =	vst v63  }
0x9a: {  	_ =	swait.ge [sflag:s23], $0xD00  }
0x9b: {  	[sflag:s23] =	ssyncset.done $0x0  }
0x9c: {  	s18 =	simm.s32 $0x0;
	s16 =	rddreg [dreg:$0x7];
	[sflag:s23] =	ssyncadd.s32 $0xFFFFF300  }
0x9d: {  	[tilespmem:s24], [sflag:$0x3] =	stream.linear.gather [hbm4b:s16+s18], $0xD00, $0x38;
	[tilespmem:$0x1FF80] =	vst v63  }
0x9e: {  	s19 =	simm.s32 $0x0;
	_ =	swait.ge [sflag:s23], $0xD00  }
0x9f: {  	s15 =	sand.u32 $0x70, s18;
	s16 =	sand.u32 $0xF80, s19;
	[sflag:s23] =	ssyncset.done $0x0  }
0xa0: {  	s15 =	sor.u32 s15, s16;
	[sflag:s23] =	ssyncadd.s32 $0xFFFFF300  }
0xa1: {  	v0 =	vld [tilespmem:s15+$0x1A00];
	_ =	sdelay $0x1  }
0xa2: {  	s17 =	simm.s32 $0x10;
	s16 =	simm.s32 $0x40  }
.LBB2_14:
0xa3: {  	s18 =	sshrl.u32 s16, $0x2;
	p2 =	sne.s32 s16, $0x33C0;
	s16 =	sadd.s32 $0x40, s16  }
.Ltmp6:
0xa4: {  	s19 =	sand.u32 $0x70, s17;
	s18 =	sand.u32 $0xF80, s18;
	(pc) =	sbr.rel @p2 .LBB2_14-.Ltmp6, $3  }
0xa5: {  	[tilespmem:s15+$0x2700] =	vst v0;
	s15 =	sor.u32 s19, s18  }
0xa6: {  	v0 =	vld [tilespmem:s15+$0x1A00];
	_ =	sdelay $0x1  }
0xa7: {  	s17 =	sadd.s32 $0x10, s17  }
0xa8: {  	_ =	sdelay $0x1  }
0xa9: {  	[tilespmem:s15+$0x2700] =	vst v0;
	s15 =	simm.s32 $0x180  }
0xaa: {  	[tilespmem:s28], [sflag:$0x2] =	stream.indirect.gather [hbm4b:s1+s26], $0x80, s15, s26, $0xb8;
	[tilespmem:$0x1FF80] =	vst v63  }
0xab: {  	_ =	swait.ge [sflag:s29], $0x4000  }
0xac: {  	[sflag:s29] =	ssyncset.done $0x0  }
0xad: {  	s16 =	simm.s32 $0x3700;
	[sflag:s29] =	ssyncadd.s32 $0xFFFFC000  }
0xae: {  	[spmem:s2] =	stream.indirect.scatter.add.f32 [tilespmem:s25], [sflag:$0x3], $0x80, s16, s26, $0xb8;
	[tilespmem:$0x1FF80] =	vst v63  }
0xaf: {  	_ =	swait.ge [sflag:s23], $0x4000  }
0xb0: {  	[sflag:s23] =	ssyncset.done $0x0  }
0xb1: {  	s18 =	simm.s32 $0x280;
	[sflag:s23] =	ssyncadd.s32 $0xFFFFC000  }
0xb2: {  	[tilespmem:s25], [sflag:$0x1] =	stream.indirect.gather [hbm4b:s1+s26], $0x80, s18, s26, $0xb8;
	[tilespmem:$0x1FF80] =	vst v63  }
0xb3: {  	_ =	swait.ge [sflag:s30], $0x4000  }
0xb4: {  	[sflag:s30] =	ssyncset.done $0x0  }
0xb5: {  	s19 =	simm.s32 $0x3780;
	[sflag:s30] =	ssyncadd.s32 $0xFFFFC000  }
0xb6: {  	[spmem:s2] =	stream.indirect.scatter.add.f32 [tilespmem:s28], [sflag:$0x3], $0x80, s19, s26, $0xb8;
	[tilespmem:$0x1FF80] =	vst v63  }
0xb7: {  	_ =	swait.ge [sflag:s23], $0x4000  }
0xb8: {  	s16 =	simm.s32 $0xFFFFD400;
	[sflag:s23] =	ssyncset.done $0x0  }
.LBB2_16:
0xb9: {  	p2 =	sne.s32 s16, $0xFFFFFC00;
	[sflag:s23] =	ssyncadd.s32 $0xFFFFC000;
	s15 =	sadd.s32 $0x200, s15  }
0xba: {  	[tilespmem:s28], [sflag:$0x2] =	stream.indirect.gather [hbm4b:s1+s26], $0x80, s15, s26, $0xb8;
	[tilespmem:$0x1FF80] =	vst v63  }
0xbb: {  	s17 =	smov.u32 s16;
	s16 =	sadd.s32 $0x400, s16;
	_ =	swait.ge [sflag:s29], $0x4000  }
0xbc: {  	s17 =	sshra.s32 s17, $0x2;
	[sflag:s29] =	ssyncset.done $0x0  }
0xbd: {  	s18 =	sadd.s32 $0x4300, s17;
	[sflag:s29] =	ssyncadd.s32 $0xFFFFC000  }
0xbe: {  	[spmem:s2] =	stream.indirect.scatter.add.f32 [tilespmem:s25], [sflag:$0x3], $0x80, s18, s26, $0xb8;
	[tilespmem:$0x1FF80] =	vst v63  }
0xbf: {  	_ =	swait.ge [sflag:s23], $0x4000  }
0xc0: {  	[sflag:s23] =	ssyncset.done $0x0  }
0xc1: {  	s18 =	sadd.s32 $0x100, s15;
	[sflag:s23] =	ssyncadd.s32 $0xFFFFC000  }
0xc2: {  	[tilespmem:s25], [sflag:$0x1] =	stream.indirect.gather [hbm4b:s1+s26], $0x80, s18, s26, $0xb8;
	[tilespmem:$0x1FF80] =	vst v63  }
0xc3: {  	_ =	swait.ge [sflag:s30], $0x4000  }
.Ltmp7:
0xc4: {  	[sflag:s30] =	ssyncset.done $0x0;
	(pc) =	sbr.rel @p2 .LBB2_16-.Ltmp7, $4  }
0xc5: {  	s17 =	sadd.s32 $0x4380, s17;
	[sflag:s30] =	ssyncadd.s32 $0xFFFFC000  }
0xc6: {  	[spmem:s2] =	stream.indirect.scatter.add.f32 [tilespmem:s28], [sflag:$0x3], $0x80, s17, s26, $0xb8;
	[tilespmem:$0x1FF80] =	vst v63  }
0xc7: {  	_ =	swait.ge [sflag:s23], $0x4000  }
0xc8: {  	[sflag:s23] =	ssyncset.done $0x0  }
0xc9: {  	[sflag:s23] =	ssyncadd.s32 $0xFFFFC000;
	s15 =	simm.s32 $0x1980  }
0xca: {  	[tilespmem:s28], [sflag:$0x2] =	stream.indirect.gather [hbm4b:s1+s26], $0x80, s15, s26, $0xb8;
	[tilespmem:$0x1FF80] =	vst v63  }
0xcb: {  	_ =	swait.ge [sflag:s29], $0x4000  }
0xcc: {  	[sflag:s29] =	ssyncset.done $0x0  }
0xcd: {  	s19 =	simm.s32 $0x4300;
	[sflag:s29] =	ssyncadd.s32 $0xFFFFC000  }
0xce: {  	[spmem:s2] =	stream.indirect.scatter.add.f32 [tilespmem:s25], [sflag:$0x3], $0x80, s19, s26, $0xb8;
	[tilespmem:$0x1FF80] =	vst v63  }
0xcf: {  	_ =	swait.ge [sflag:s23], $0x4000  }
0xd0: {  	[sflag:s23] =	ssyncset.done $0x0  }
0xd1: {  	[sflag:s23] =	ssyncadd.s32 $0xFFFFC000  }
0xd2: {  	_ =	swait.ge [sflag:s30], $0x4000  }
0xd3: {  	[sflag:s30] =	ssyncset.done $0x0  }
0xd4: {  	s16 =	simm.s32 $0x4380;
	[sflag:s30] =	ssyncadd.s32 $0xFFFFC000  }
0xd5: {  	[spmem:s2] =	stream.indirect.scatter.add.f32 [tilespmem:s28], [sflag:$0x3], $0x80, s16, s26, $0xb8;
	[tilespmem:$0x1FF80] =	vst v63  }
0xd6: {  	_ =	swait.ge [sflag:s23], $0x4000  }
0xd7: {  	[sflag:s23] =	ssyncset.done $0x0  }
0xd8: {  	s17 =	simm.s32 $0x0;
	[sflag:s23] =	ssyncadd.s32 $0xFFFFC000  }
0xd9: {  	[tilespmem:s25], [sflag:$0x1] =	stream.indirect.gather [hbm4b:s1+s26], $0x80, s17, s26, $0xb8;
	[tilespmem:$0x1FF80] =	vst v63  }
0xda: {  	s15 =	simm.s32 $0x100  }
0xdb: {  	[tilespmem:s28], [sflag:$0x2] =	stream.indirect.gather [hbm4b:s1+s26], $0x80, s15, s26, $0xb8;
	[tilespmem:$0x1FF80] =	vst v63  }
0xdc: {  	_ =	swait.ge [sflag:s29], $0x4000  }
0xdd: {  	[sflag:s29] =	ssyncset.done $0x0  }
0xde: {  	s16 =	simm.s32 $0x2700;
	[sflag:s29] =	ssyncadd.s32 $0xFFFFC000  }
0xdf: {  	[spmem:s2] =	stream.indirect.scatter.add.f32 [tilespmem:s25], [sflag:$0x3], $0x80, s16, s26, $0xb8;
	[tilespmem:$0x1FF80] =	vst v63  }
0xe0: {  	_ =	swait.ge [sflag:s23], $0x4000  }
0xe1: {  	[sflag:s23] =	ssyncset.done $0x0  }
0xe2: {  	s18 =	simm.s32 $0x200;
	[sflag:s23] =	ssyncadd.s32 $0xFFFFC000  }
0xe3: {  	[tilespmem:s25], [sflag:$0x1] =	stream.indirect.gather [hbm4b:s1+s26], $0x80, s18, s26, $0xb8;
	[tilespmem:$0x1FF80] =	vst v63  }
0xe4: {  	_ =	swait.ge [sflag:s30], $0x4000  }
0xe5: {  	[sflag:s30] =	ssyncset.done $0x0  }
0xe6: {  	s19 =	simm.s32 $0x2780;
	[sflag:s30] =	ssyncadd.s32 $0xFFFFC000  }
0xe7: {  	[spmem:s2] =	stream.indirect.scatter.add.f32 [tilespmem:s28], [sflag:$0x3], $0x80, s19, s26, $0xb8;
	[tilespmem:$0x1FF80] =	vst v63  }
0xe8: {  	_ =	swait.ge [sflag:s23], $0x4000  }
0xe9: {  	s16 =	simm.s32 $0x400;
	[sflag:s23] =	ssyncset.done $0x0  }
.LBB2_18:
0xea: {  	p2 =	sne.s32 s16, $0x2C00;
	[sflag:s23] =	ssyncadd.s32 $0xFFFFC000;
	s15 =	sadd.s32 $0x200, s15  }
0xeb: {  	[tilespmem:s28], [sflag:$0x2] =	stream.indirect.gather [hbm4b:s1+s26], $0x80, s15, s26, $0xb8;
	[tilespmem:$0x1FF80] =	vst v63  }
0xec: {  	s17 =	smov.u32 s16;
	s16 =	sadd.s32 $0x400, s16;
	_ =	swait.ge [sflag:s29], $0x4000  }
0xed: {  	s17 =	sshra.s32 s17, $0x2;
	[sflag:s29] =	ssyncset.done $0x0  }
0xee: {  	s18 =	sadd.s32 $0x2700, s17;
	[sflag:s29] =	ssyncadd.s32 $0xFFFFC000  }
0xef: {  	[spmem:s2] =	stream.indirect.scatter.add.f32 [tilespmem:s25], [sflag:$0x3], $0x80, s18, s26, $0xb8;
	[tilespmem:$0x1FF80] =	vst v63  }
0xf0: {  	_ =	swait.ge [sflag:s23], $0x4000  }
0xf1: {  	[sflag:s23] =	ssyncset.done $0x0  }
0xf2: {  	s18 =	sadd.s32 $0x100, s15;
	[sflag:s23] =	ssyncadd.s32 $0xFFFFC000  }
0xf3: {  	[tilespmem:s25], [sflag:$0x1] =	stream.indirect.gather [hbm4b:s1+s26], $0x80, s18, s26, $0xb8;
	[tilespmem:$0x1FF80] =	vst v63  }
0xf4: {  	_ =	swait.ge [sflag:s30], $0x4000  }
.Ltmp8:
0xf5: {  	[sflag:s30] =	ssyncset.done $0x0;
	(pc) =	sbr.rel @p2 .LBB2_18-.Ltmp8, $4  }
0xf6: {  	s17 =	sadd.s32 $0x2780, s17;
	[sflag:s30] =	ssyncadd.s32 $0xFFFFC000  }
0xf7: {  	[spmem:s2] =	stream.indirect.scatter.add.f32 [tilespmem:s28], [sflag:$0x3], $0x80, s17, s26, $0xb8;
	[tilespmem:$0x1FF80] =	vst v63  }
0xf8: {  	_ =	swait.ge [sflag:s23], $0x4000  }
0xf9: {  	[sflag:s23] =	ssyncset.done $0x0  }
0xfa: {  	[sflag:s23] =	ssyncadd.s32 $0xFFFFC000  }
0xfb: {  	[tilespmem:s28], [sflag:$0x2] =	stream.indirect.gather [hbm4b:s1+s26], $0x80, s31, s26, $0xb8;
	[tilespmem:$0x1FF80] =	vst v63  }
0xfc: {  	_ =	swait.ge [sflag:s29], $0x4000  }
0xfd: {  	[sflag:s29] =	ssyncset.done $0x0  }
0xfe: {  	[sflag:s29] =	ssyncadd.s32 $0xFFFFC000  }
0xff: {  	[spmem:s2] =	stream.indirect.scatter.add.f32 [tilespmem:s25], [sflag:$0x3], $0x80, s0, s26, $0xb8;
	[tilespmem:$0x1FF80] =	vst v63  }
0x100: {  	_ =	swait.ge [sflag:s23], $0x4000  }
0x101: {  	[sflag:s23] =	ssyncset.done $0x0  }
0x102: {  	[sflag:s23] =	ssyncadd.s32 $0xFFFFC000  }
0x103: {  	_ =	swait.ge [sflag:s30], $0x4000  }
0x104: {  	[sflag:s30] =	ssyncset.done $0x0  }
0x105: {  	[sflag:s30] =	ssyncadd.s32 $0xFFFFC000  }
0x106: {  	[spmem:s2] =	stream.indirect.scatter.add.f32 [tilespmem:s28], [sflag:$0x3], $0x80, s3, s26, $0xb8;
	[tilespmem:$0x1FF80] =	vst v63  }
0x107: {  	_ =	swait.ge [sflag:s23], $0x4000  }
0x108: {  	[sflag:s23] =	ssyncset.done $0x0  }
0x109: {  	s15 =	simm.s32 @!p1 $0x0;
	s16 =	rddreg [dreg:$0x8];
	[sflag:s23] =	ssyncadd.s32 $0xFFFFC000  }
0x10a: {  	[tilespmem:s15], [sflag:$0x3] =	stream.linear.gather @!p1 [hbm4b:s16+s15], $0x80, $0x38;
	[tilespmem:$0x1FF80] =	vst v63  }
0x10b: {  	s16 =	simm.s32 @!p1 $0x3  }
0x10c: {  	_ =	swait.ge @!p1 [sflag:s16], $0x80  }
0x10d: {  	[sflag:s16] =	ssyncset.done @!p1 $0x0  }
0x10e: {  	s17 =	simm.s32 @!p1 $0x1A00;
	s18 =	rddreg [dreg:$0x9];
	[sflag:s16] =	ssyncadd.s32 @!p1 $0xFFFFFF80  }
0x10f: {  	[tilespmem:s17], [sflag:$0x3] =	stream.linear.gather @!p1 [hbm4b:s18+s15], $0x80, $0x38;
	[tilespmem:$0x1FF80] =	vst v63  }
0x110: {  	_ =	swait.ge @!p1 [sflag:s16], $0x80  }
0x111: {  	[sflag:s16] =	ssyncset.done @!p1 $0x0  }
0x112: {  	[sflag:s16] =	ssyncadd.s32 @!p1 $0xFFFFFF80  }
0x113: {  	v0 =	vld @!p1 [tilespmem:$0x1A00]  }
0x114: {  	v1 =	vld @!p1 [tilespmem:$0x1A10]  }
0x115: {  	v2 =	vld @!p1 [tilespmem:$0x1A20]  }
0x116: {  	v3 =	vld @!p1 [tilespmem:$0x1A30]  }
0x117: {  	v4 =	vld @!p1 [tilespmem:$0x1A40]  }
0x118: {  	[tilespmem:$0x2700] =	vst @!p1 v0;
	v0 =	vld @!p1 [tilespmem:$0x1A50]  }
0x119: {  	[tilespmem:$0x2710] =	vst @!p1 v1;
	v1 =	vld @!p1 [tilespmem:$0x1A60]  }
0x11a: {  	[tilespmem:$0x2720] =	vst @!p1 v2;
	v2 =	vld @!p1 [tilespmem:$0x1A70]  }
0x11b: {  	[tilespmem:$0x2730] =	vst @!p1 v3  }
0x11c: {  	[tilespmem:$0x2740] =	vst @!p1 v4  }
0x11d: {  	[tilespmem:$0x2750] =	vst @!p1 v0  }
0x11e: {  	[tilespmem:$0x2760] =	vst @!p1 v1  }
0x11f: {  	s17 =	simm.s32 @!p1 $0x80;
	s18 =	simm.s32 @!p1 $0x4700;
	[tilespmem:$0x2770] =	vst @!p1 v2  }
0x120: {  	[tilespmem:s18], [sflag:$0x1] =	stream.indirect.gather @!p1 [hbm4b:s1+s17], $0x80, s15, s17, $0xb8;
	[tilespmem:$0x1FF80] =	vst v63  }
0x121: {  	s15 =	simm.s32 @!p1 $0x1  }
0x122: {  	_ =	swait.ge @!p1 [sflag:s15], $0x4000  }
0x123: {  	[sflag:s15] =	ssyncset.done @!p1 $0x0  }
0x124: {  	[sflag:s15] =	ssyncadd.s32 @!p1 $0xFFFFC000;
	s15 =	simm.s32 @!p1 $0x2700  }
0x125: {  	[spmem:s2] =	stream.indirect.scatter.add.f32 @!p1 [tilespmem:s18], [sflag:$0x3], $0x80, s15, s17, $0xb8;
	[tilespmem:$0x1FF80] =	vst v63  }
0x126: {  	_ =	swait.ge @!p1 [sflag:s16], $0x4000  }
0x127: {  	[sflag:s16] =	ssyncset.done @!p1 $0x0  }
0x128: {  	[sflag:s16] =	ssyncadd.s32 @!p1 $0xFFFFC000  }
0x129: {  	[bflag:$0x0] =	sbarrier.arrive $0xFFFF  }
0x12a: {  	s18 =	rddreg [dreg:$0xf]  }
0x12b: {  	[hbm:s18], [sflag:s9] =	dma.local [spmem:s11], $0xC80  }
0x12c: {  	_ =	swait.ge [sflag:s23], $0xC80  }
0x12d: {  	[sflag:s23] =	ssyncset.done $0x0  }
0x12e: {  	[sflag:s23] =	ssyncadd.s32 $0xFFFFF380  }
0x12f: {  	[hbm:s20], [sflag:s9] =	dma.local [spmem:s12], $0xC80  }
0x130: {  	_ =	swait.ge [sflag:s23], $0xC80  }
0x131: {  	[sflag:s23] =	ssyncset.done $0x0  }
0x132: {  	[sflag:s23] =	ssyncadd.s32 $0xFFFFF380  }
0x133: {  	[hbm:s21], [sflag:s9] =	dma.local [spmem:s13], $0xC80  }
0x134: {  	_ =	swait.ge [sflag:s23], $0xC80  }
0x135: {  	[sflag:s23] =	ssyncset.done $0x0  }
0x136: {  	[sflag:s23] =	ssyncadd.s32 $0xFFFFF380  }
0x137: {  	[hbm:s22], [sflag:s9] =	dma.local @!p0 [spmem:s14], $0xC80  }
0x138: {  	s9 =	simm.s32 @!p0 $0x3  }
0x139: {  	_ =	swait.ge @!p0 [sflag:s9], $0xC80  }
0x13a: {  	s7 =	sadd.s32 $0x1, s7;
	s19 =	rddreg [dreg:$0xa]  }
0x13b: {  	p2 =	sne.s32 s7, s19  }
.Ltmp9:
0x13c: {  	_ = 	snop;
	(pc) =	sbr.rel @p2 .LBB2_1-.Ltmp9, $3  }
0x13d: {  	_ =	sdelay $0x1  }
0x13e: {  	[sflag:s9] =	ssyncset.done @!p0 $0x0  }
0x13f: {  	[sflag:s9] =	ssyncadd.s32 @!p0 $0xFFFFF380  }
0x140: {  	_ =	sfence.sel $0x180000  }
0x141: {  	[bflag:$0x0] =	sbarrier.arrive $0xFFFF  }
0x142: {  	_ =	strace $0x90000047  }
0x143: {  	s0 =	stileid.u32;
	[bflag:$0x2] =	sbarrier.arrive $0xFFFF  }
0x144: {  	p0 =	sne.s32 s0, $0x0;
	s0 =	rddreg [dreg:$0x4]  }
0x145: {  	s0 =	sadd.s32 @!p0 $0x100000, s0  }
0x146: {  	[sflag:s0] =	ssyncadd.tile.s32 @!p0 $0x1;
	_ =	shalt  }
.Lfunc_end2:
_tile_overlayer_lowered:
.L_overlay_start_2:
0x147: {  	(tag) =	ssettag $0x2  }
0x148: {  	s0 =	rddreg [dreg:$0x0];
	s2 =	stileid.u32  }
0x149: {  	s1 =	rddreg [dreg:$0x1];
	p0 =	sne.s32 s2, $0x0  }
0x14a: {  	s3 =	rddreg [dreg:$0x2];
	[bflag:$0x3] =	sbarrier.arrive $0xFFFF;
	s2 =	simm.s32 @!p0 $0x1C03  }
0x14b: {  	[timem:s3], [sflag:s2] =	dma.local @!p0 [hbm:s0], s1  }
0x14c: {  	s0 =	simm.s32 @!p0 $0x3  }
0x14d: {  	_ =	swait.ge @!p0 [sflag:s0], s1  }
0x14e: {  	s1 =	ssub.s32 @!p0 $0x0, s1;
	[sflag:s0] =	ssyncset.done @!p0 $0x0  }
0x14f: {  	[sflag:s0] =	ssyncadd.s32 @!p0 s1  }
0x150: {  	[bflag:$0x3] =	sbarrier.arrive $0xFFFF  }
0x151: {  	_ =	shalt  }

</sc_bundles>
